<compile_context>
chip_gen: v7x
topology: tpu7x:2x2x1
jax: 0.10.2.dev20260603
libtpu: 0.0.44.dev20260713+nightly
codegen_flags: <defaults>
</compile_context>

<pallas_src>
import functools

import jax
import jax.numpy as jnp
from jax import lax
from jax.experimental import pallas as pl
from jax.experimental.pallas import tpu as pltpu
from jax.experimental.pallas import tpu_sc as plsc

N = 10000
E = 320000
D = 128
C = 10
G = 128

NC = 2
NS = 16
NW = NC * NS
E_PER_W = E // NW
CH = 128
NB = 80
E_PAD_W = NB * CH
NA = N + 8 * NW
RPS = 624
RPS_LAST = N - 15 * RPS


@functools.lru_cache(maxsize=None)
def _make_sc_agg():
    mesh = plsc.VectorSubcoreMesh(core_axis_name="c", subcore_axis_name="s")

    @functools.partial(
        pl.kernel,
        mesh=mesh,
        out_type=[jax.ShapeDtypeStruct((N, D), jnp.float32),
                  jax.ShapeDtypeStruct((N, D), jnp.float32)],
        scratch_types=[
            pltpu.VMEM((NB, CH), jnp.int32),
            pltpu.VMEM((NB, CH), jnp.int32),
            pltpu.VMEM((CH, D), jnp.float32),
            pltpu.VMEM_SHARED((NA, D), jnp.float32),
            pltpu.SemaphoreType.DMA,
        ],
    )
    def sc_agg(x_hbm, src_hbm, dst_hbm, zeros_hbm, out0, out1,
               tab_src, tab_dst, rows,
               acc, sem):
        cid = lax.axis_index("c")
        sid = lax.axis_index("s")

        r0 = sid * RPS

        @pl.when(sid < NS - 1)
        def _():
            pltpu.sync_copy(zeros_hbm.at[pl.ds(r0, RPS)],
                            acc.at[pl.ds(r0, RPS)])

        @pl.when(sid == NS - 1)
        def _():
            pltpu.sync_copy(zeros_hbm.at[pl.ds(15 * RPS, RPS_LAST)],
                            acc.at[pl.ds(15 * RPS, RPS_LAST)])

        plsc.subcore_barrier()

        w = cid * NS + sid
        pltpu.sync_copy(src_hbm.at[pl.ds(w * NB, NB)], tab_src)
        pltpu.sync_copy(dst_hbm.at[pl.ds(w * NB, NB)], tab_dst)

        def body(t, carry):
            pltpu.async_copy(x_hbm.at[tab_src.at[t]], rows, sem).wait()
            pltpu.sync_copy(rows, acc.at[tab_dst.at[t]], add=True)
            return carry

        lax.fori_loop(0, NB, body, 0)

        plsc.subcore_barrier()

        @pl.when(jnp.logical_and(cid == 0, sid < NS - 1))
        def _():
            pltpu.sync_copy(acc.at[pl.ds(r0, RPS)], out0.at[pl.ds(r0, RPS)])

        @pl.when(jnp.logical_and(cid == 0, sid == NS - 1))
        def _():
            pltpu.sync_copy(acc.at[pl.ds(15 * RPS, RPS_LAST)],
                            out0.at[pl.ds(15 * RPS, RPS_LAST)])

        @pl.when(jnp.logical_and(cid == 1, sid < NS - 1))
        def _():
            pltpu.sync_copy(acc.at[pl.ds(r0, RPS)], out1.at[pl.ds(r0, RPS)])

        @pl.when(jnp.logical_and(cid == 1, sid == NS - 1))
        def _():
            pltpu.sync_copy(acc.at[pl.ds(15 * RPS, RPS_LAST)],
                            out1.at[pl.ds(15 * RPS, RPS_LAST)])

    return sc_agg


_R = 1000
_NBLK = N // _R


def _tc_layer_body(x_ref, p0_ref, p1_ref, ws_ref, wn_ref, b_ref, o_ref):
    x = x_ref[...]
    agg = p0_ref[...] + p1_ref[...]
    h = (jnp.dot(x, ws_ref[...], preferred_element_type=jnp.float32)
         + jnp.dot(agg, wn_ref[...], preferred_element_type=jnp.float32)
         + b_ref[...])
    o_ref[...] = jnp.maximum(h, 0.0)


def _tc_layer(x, p0, p1, w_self, w_neigh, b):
    return pl.pallas_call(
        _tc_layer_body,
        grid=(_NBLK,),
        in_specs=[
            pl.BlockSpec((_R, D), lambda i: (i, 0)),
            pl.BlockSpec((_R, D), lambda i: (i, 0)),
            pl.BlockSpec((_R, D), lambda i: (i, 0)),
            pl.BlockSpec((D, D), lambda i: (0, 0)),
            pl.BlockSpec((D, D), lambda i: (0, 0)),
            pl.BlockSpec((1, D), lambda i: (0, 0)),
        ],
        out_specs=pl.BlockSpec((_R, D), lambda i: (i, 0)),
        out_shape=jax.ShapeDtypeStruct((N, D), jnp.float32),
    )(x, p0, p1, w_self, w_neigh, b.reshape(1, D))


def _tc_final_body(x_ref, p0_ref, p1_ref, ws_ref, wn_ref, b_ref,
                   batch_ref, wd1_ref, bd1_ref, wd2_ref, bd2_ref,
                   o_ref, acc_sum, acc_cnt):
    i = pl.program_id(0)

    @pl.when(i == 0)
    def _():
        acc_sum[...] = jnp.zeros_like(acc_sum)
        acc_cnt[...] = jnp.zeros_like(acc_cnt)

    x = x_ref[...]
    agg = p0_ref[...] + p1_ref[...]
    h = (jnp.dot(x, ws_ref[...], preferred_element_type=jnp.float32)
         + jnp.dot(agg, wn_ref[...], preferred_element_type=jnp.float32)
         + b_ref[...])
    h = jnp.maximum(h, 0.0)

    labels = batch_ref[...].reshape(1, _R)
    onehot_t = (labels == lax.broadcasted_iota(jnp.int32, (G, _R), 0))
    onehot_t = onehot_t.astype(jnp.float32)
    acc_sum[...] += jnp.dot(onehot_t, h, preferred_element_type=jnp.float32)
    acc_cnt[...] += jnp.dot(onehot_t, jnp.ones((_R, D), jnp.float32),
                            preferred_element_type=jnp.float32)

    @pl.when(i == _NBLK - 1)
    def _():
        pooled = acc_sum[...] / jnp.maximum(acc_cnt[...], 1.0)
        t = jnp.maximum(
            jnp.dot(pooled, wd1_ref[...], preferred_element_type=jnp.float32)
            + bd1_ref[...], 0.0)
        logits = (jnp.dot(t, wd2_ref[...], preferred_element_type=jnp.float32)
                  + bd2_ref[...])
        m = jnp.max(logits, axis=-1, keepdims=True)
        e = jnp.exp(logits - m)
        o_ref[...] = e / jnp.sum(e, axis=-1, keepdims=True)


def _tc_final(h1, p0, p1, w_self, w_neigh, b, batch, wd1, bd1, wd2, bd2):
    return pl.pallas_call(
        _tc_final_body,
        grid=(_NBLK,),
        in_specs=[
            pl.BlockSpec((_R, D), lambda i: (i, 0)),
            pl.BlockSpec((_R, D), lambda i: (i, 0)),
            pl.BlockSpec((_R, D), lambda i: (i, 0)),
            pl.BlockSpec((D, D), lambda i: (0, 0)),
            pl.BlockSpec((D, D), lambda i: (0, 0)),
            pl.BlockSpec((1, D), lambda i: (0, 0)),
            pl.BlockSpec((1, 1, _R), lambda i: (i, 0, 0)),
            pl.BlockSpec((D, D), lambda i: (0, 0)),
            pl.BlockSpec((1, D), lambda i: (0, 0)),
            pl.BlockSpec((D, C), lambda i: (0, 0)),
            pl.BlockSpec((1, C), lambda i: (0, 0)),
        ],
        out_specs=pl.BlockSpec((G, C), lambda i: (0, 0)),
        out_shape=jax.ShapeDtypeStruct((G, C), jnp.float32),
        scratch_shapes=[
            pltpu.VMEM((G, D), jnp.float32),
            pltpu.VMEM((G, D), jnp.float32),
        ],
    )(h1, p0, p1, w_self, w_neigh, b.reshape(1, D),
      batch.reshape(_NBLK, 1, _R), wd1, bd1.reshape(1, D), wd2,
      bd2.reshape(1, C))


def kernel(node_embeddings, edge_index, batch, W1_self, W1_neigh, b1,
           W2_self, W2_neigh, b2, Wd1, bd1, Wd2, bd2):
    n_pad = E_PAD_W - E_PER_W
    src2 = edge_index[0].reshape(NW, E_PER_W)
    src = jnp.concatenate(
        [src2, src2[:, :n_pad]], axis=1).reshape(NW * NB, CH)
    trash = (N + 8 * jnp.arange(NW, dtype=jnp.int32)[:, None]
             + (jnp.arange(n_pad, dtype=jnp.int32) % 8)[None, :])
    dst = jnp.concatenate(
        [edge_index[1].reshape(NW, E_PER_W), trash],
        axis=1).reshape(NW * NB, CH)
    zeros = jnp.zeros((N, D), jnp.float32)

    sc_agg = _make_sc_agg()
    p0, p1 = sc_agg(node_embeddings, src, dst, zeros)
    h1 = _tc_layer(node_embeddings, p0, p1, W1_self, W1_neigh, b1)
    q0, q1 = sc_agg(h1, src, dst, zeros)
    return _tc_final(h1, q0, q1, W2_self, W2_neigh, b2, batch,
                     Wd1, bd1, Wd2, bd2)

# --- scband reference (transcript-rebuilt; emitter-appended) ---
"""Pipeline reference for scband-graph-sage-2869038153785 (READ-ONLY COPY).

The authoritative reference and input builder live on the scoring server;
editing this copy changes nothing except your own understanding.
"""

import jax, jax.numpy as jnp
import numpy as np

N = 10000
E = 320000
D = 128
C = 10
G = 128


def setup_inputs(seed: int = 0) -> dict:
    key = jax.random.key(seed)
    ks = jax.random.split(key, 14)
    scale = 0.05
    x = jax.random.normal(ks[0], (N, D), dtype=jnp.float32)
    edge_index = jax.random.randint(ks[1], (2, E), 0, N, dtype=jnp.int32)
    batch = jnp.sort(jax.random.randint(ks[2], (N,), 0, G, dtype=jnp.int32))
    W1_self = jax.random.normal(ks[3], (D, D), dtype=jnp.float32) * scale
    W1_neigh = jax.random.normal(ks[4], (D, D), dtype=jnp.float32) * scale
    b1 = jnp.zeros((D,), dtype=jnp.float32)
    W2_self = jax.random.normal(ks[5], (D, D), dtype=jnp.float32) * scale
    W2_neigh = jax.random.normal(ks[6], (D, D), dtype=jnp.float32) * scale
    b2 = jnp.zeros((D,), dtype=jnp.float32)
    Wd1 = jax.random.normal(ks[7], (D, D), dtype=jnp.float32) * scale
    bd1 = jnp.zeros((D,), dtype=jnp.float32)
    Wd2 = jax.random.normal(ks[8], (D, C), dtype=jnp.float32) * scale
    bd2 = jnp.zeros((C,), dtype=jnp.float32)
    return {"node_embeddings": x, "edge_index": edge_index, "batch": batch,
            "W1_self": W1_self, "W1_neigh": W1_neigh, "b1": b1,
            "W2_self": W2_self, "W2_neigh": W2_neigh, "b2": b2,
            "Wd1": Wd1, "bd1": bd1, "Wd2": Wd2, "bd2": bd2}


def _sage_conv(x, src, dst, W_self, W_neigh, b):
    # GraphSAGE convolution with sum aggregation:
    # h_i = x_i @ W_self + (sum_{j in N(i)} x_j) @ W_neigh + b
    msgs = jnp.take(x, src, axis=0)
    agg = jax.ops.segment_sum(msgs, dst, num_segments=N)
    return x @ W_self + agg @ W_neigh + b


def reference(node_embeddings, edge_index, batch, W1_self, W1_neigh, b1,
              W2_self, W2_neigh, b2, Wd1, bd1, Wd2, bd2):
    src = edge_index[0]
    dst = edge_index[1]
    h = jax.nn.relu(_sage_conv(node_embeddings, src, dst, W1_self, W1_neigh, b1))
    h = jax.nn.relu(_sage_conv(h, src, dst, W2_self, W2_neigh, b2))
    # batch_read_out: mean pooling of node features per graph id
    summed = jax.ops.segment_sum(h, batch, num_segments=G)
    counts = jax.ops.segment_sum(jnp.ones((N, 1), dtype=h.dtype), batch, num_segments=G)
    pooled = summed / jnp.maximum(counts, 1.0)
    h = jax.nn.relu(pooled @ Wd1 + bd1)
    # dropout is identity in deterministic/eval reference
    logits = h @ Wd2 + bd2
    return jax.nn.softmax(logits, axis=-1)

if __name__ == "__main__":
    import jax
    _d = setup_inputs()
    print(jax.jit(kernel)(*tuple(_d.values())))

</pallas_src>

<mosaic_0001>
#map = affine_map<(d0, d1) -> (0, 0)>
module attributes {stable_mosaic.version = 14 : i64} {
  func.func @sc_agg(%arg0: i32, %arg1: i32, %arg2: memref<10000x128xf32, #tpu.memory_space<hbm>>, %arg3: memref<2560x128xi32, #tpu.memory_space<hbm>>, %arg4: memref<2560x128xi32, #tpu.memory_space<hbm>>, %arg5: memref<10000x128xf32, #tpu.memory_space<hbm>>, %arg6: memref<10000x128xf32, #tpu.memory_space<hbm>>, %arg7: memref<10000x128xf32, #tpu.memory_space<hbm>>, %arg8: memref<80x128xi32, #tpu.memory_space<vmem>>, %arg9: memref<80x128xi32, #tpu.memory_space<vmem>>, %arg10: memref<128x128xf32, #tpu.memory_space<vmem>>, %arg11: memref<10256x128xf32, #tpu.memory_space<vmem_shared>>, %arg12: memref<!tpu.dma_semaphore, #tpu.memory_space<semaphore_mem>>) attributes {dimension_semantics = [#tpu.dimension_semantics<core_parallel>, #tpu.dimension_semantics<subcore_parallel>], iteration_bounds = array<i64: 2, 16>, scalar_prefetch = 0 : i64, scratch_operands = 5 : i64, tpu.core_type = #tpu.core_type<sc_vector_subcore>, window_params = [{transform_indices = #map}, {transform_indices = #map}, {transform_indices = #map}, {transform_indices = #map}, {transform_indices = #map}, {transform_indices = #map}]} {
    %mul3A = arith.constant 624 : i32
    %mul3A_0 = arith.muli %arg1, %mul3A : i32
    %lt3A = arith.constant 15 : i32
    %lt3A_1 = arith.cmpi slt, %arg1, %lt3A : i32
    %convert_element_type3A = arith.extui %lt3A_1 : i1 to i32
    %cond3A = arith.constant 0 : i32
    %cond3A_2 = arith.cmpi ne, %convert_element_type3A, %cond3A : i32
    scf.if %cond3A_2 {
      "tpu.region"() ({
        %run_scoped3A = tpu.sem_alloc : memref<!tpu.dma_semaphore, #tpu.memory_space<semaphore_mem>>
        %dma_start3A = arith.constant 0 : i32
        %dma_start3A_50 = tpu.memref_slice %arg11[%mul3A_0, %dma_start3A] : memref<10256x128xf32, #tpu.memory_space<vmem_shared>> -> memref<624x128xf32, #tpu.memory_space<vmem_shared>>
        %dma_start3A_51 = arith.constant 0 : i32
        %dma_start3A_52 = tpu.memref_slice %arg5[%mul3A_0, %dma_start3A_51] : memref<10000x128xf32, #tpu.memory_space<hbm>> -> memref<624x128xf32, #tpu.memory_space<hbm>>
        tpu.enqueue_dma source(%dma_start3A_52 : memref<624x128xf32, #tpu.memory_space<hbm>>) target(%dma_start3A_50 : memref<624x128xf32, #tpu.memory_space<vmem_shared>>) target_semaphore(%run_scoped3A : memref<!tpu.dma_semaphore, #tpu.memory_space<semaphore_mem>>)
        %dma_wait3A = arith.constant 0 : i32
        %dma_wait3A_53 = tpu.memref_slice %arg11[%mul3A_0, %dma_wait3A] : memref<10256x128xf32, #tpu.memory_space<vmem_shared>> -> memref<624x128xf32, #tpu.memory_space<vmem_shared>>
        %dma_wait3A_54 = arith.constant 0 : i32
        %dma_wait3A_55 = tpu.memref_slice %arg5[%mul3A_0, %dma_wait3A_54] : memref<10000x128xf32, #tpu.memory_space<hbm>> -> memref<624x128xf32, #tpu.memory_space<hbm>>
        tpu.wait_dma2 semaphore(%run_scoped3A : memref<!tpu.dma_semaphore, #tpu.memory_space<semaphore_mem>>) src(%dma_wait3A_55 : memref<624x128xf32, #tpu.memory_space<hbm>>) dst(%dma_wait3A_53 : memref<624x128xf32, #tpu.memory_space<vmem_shared>>)
        tpu.yield
      }) : () -> ()
    } else {
    }
    %eq3A = arith.constant 15 : i32
    %eq3A_3 = arith.cmpi eq, %arg1, %eq3A : i32
    %convert_element_type3A_4 = arith.extui %eq3A_3 : i1 to i32
    %cond3A_5 = arith.constant 0 : i32
    %cond3A_6 = arith.cmpi ne, %convert_element_type3A_4, %cond3A_5 : i32
    scf.if %cond3A_6 {
      "tpu.region"() ({
        %run_scoped3A = tpu.sem_alloc : memref<!tpu.dma_semaphore, #tpu.memory_space<semaphore_mem>>
        %dma_start3A = arith.constant 9360 : i32
        %dma_start3A_50 = arith.constant 0 : i32
        %dma_start3A_51 = tpu.memref_slice %arg11[%dma_start3A, %dma_start3A_50] : memref<10256x128xf32, #tpu.memory_space<vmem_shared>> -> memref<640x128xf32, #tpu.memory_space<vmem_shared>>
        %dma_start3A_52 = arith.constant 9360 : i32
        %dma_start3A_53 = arith.constant 0 : i32
        %dma_start3A_54 = tpu.memref_slice %arg5[%dma_start3A_52, %dma_start3A_53] : memref<10000x128xf32, #tpu.memory_space<hbm>> -> memref<640x128xf32, #tpu.memory_space<hbm>>
        tpu.enqueue_dma source(%dma_start3A_54 : memref<640x128xf32, #tpu.memory_space<hbm>>) target(%dma_start3A_51 : memref<640x128xf32, #tpu.memory_space<vmem_shared>>) target_semaphore(%run_scoped3A : memref<!tpu.dma_semaphore, #tpu.memory_space<semaphore_mem>>)
        %dma_wait3A = arith.constant 9360 : i32
        %dma_wait3A_55 = arith.constant 0 : i32
        %dma_wait3A_56 = tpu.memref_slice %arg11[%dma_wait3A, %dma_wait3A_55] : memref<10256x128xf32, #tpu.memory_space<vmem_shared>> -> memref<640x128xf32, #tpu.memory_space<vmem_shared>>
        %dma_wait3A_57 = arith.constant 9360 : i32
        %dma_wait3A_58 = arith.constant 0 : i32
        %dma_wait3A_59 = tpu.memref_slice %arg5[%dma_wait3A_57, %dma_wait3A_58] : memref<10000x128xf32, #tpu.memory_space<hbm>> -> memref<640x128xf32, #tpu.memory_space<hbm>>
        tpu.wait_dma2 semaphore(%run_scoped3A : memref<!tpu.dma_semaphore, #tpu.memory_space<semaphore_mem>>) src(%dma_wait3A_59 : memref<640x128xf32, #tpu.memory_space<hbm>>) dst(%dma_wait3A_56 : memref<640x128xf32, #tpu.memory_space<vmem_shared>>)
        tpu.yield
      }) : () -> ()
    } else {
    }
    %barrier3A = arith.constant 0 : index
    tpu.barrier barrier_id(%barrier3A)
    %mul3A_7 = arith.constant 16 : i32
    %mul3A_8 = arith.muli %arg0, %mul3A_7 : i32
    %add3A = arith.addi %mul3A_8, %arg1 : i32
    %mul3A_9 = arith.constant 80 : i32
    %mul3A_10 = arith.muli %add3A, %mul3A_9 : i32
    "tpu.region"() ({
      %run_scoped3A = tpu.sem_alloc : memref<!tpu.dma_semaphore, #tpu.memory_space<semaphore_mem>>
      %dma_start3A = arith.constant 0 : i32
      %dma_start3A_50 = tpu.memref_slice %arg3[%mul3A_10, %dma_start3A] : memref<2560x128xi32, #tpu.memory_space<hbm>> -> memref<80x128xi32, #tpu.memory_space<hbm>>
      %dma_start3A_51 = arith.constant 0 : i32
      %dma_start3A_52 = tpu.memref_slice %arg3[%mul3A_10, %dma_start3A_51] : memref<2560x128xi32, #tpu.memory_space<hbm>> -> memref<80x128xi32, #tpu.memory_space<hbm>>
      tpu.enqueue_dma source(%dma_start3A_52 : memref<80x128xi32, #tpu.memory_space<hbm>>) target(%arg8 : memref<80x128xi32, #tpu.memory_space<vmem>>) target_semaphore(%run_scoped3A : memref<!tpu.dma_semaphore, #tpu.memory_space<semaphore_mem>>)
      %dma_wait3A = arith.constant 0 : i32
      %dma_wait3A_53 = tpu.memref_slice %arg3[%mul3A_10, %dma_wait3A] : memref<2560x128xi32, #tpu.memory_space<hbm>> -> memref<80x128xi32, #tpu.memory_space<hbm>>
      %dma_wait3A_54 = arith.constant 0 : i32
      %dma_wait3A_55 = tpu.memref_slice %arg3[%mul3A_10, %dma_wait3A_54] : memref<2560x128xi32, #tpu.memory_space<hbm>> -> memref<80x128xi32, #tpu.memory_space<hbm>>
      tpu.wait_dma2 semaphore(%run_scoped3A : memref<!tpu.dma_semaphore, #tpu.memory_space<semaphore_mem>>) src(%dma_wait3A_55 : memref<80x128xi32, #tpu.memory_space<hbm>>) dst(%arg8 : memref<80x128xi32, #tpu.memory_space<vmem>>)
      tpu.yield
    }) : () -> ()
    %mul3A_11 = arith.constant 80 : i32
    %mul3A_12 = arith.muli %add3A, %mul3A_11 : i32
    "tpu.region"() ({
      %run_scoped3A = tpu.sem_alloc : memref<!tpu.dma_semaphore, #tpu.memory_space<semaphore_mem>>
      %dma_start3A = arith.constant 0 : i32
      %dma_start3A_50 = tpu.memref_slice %arg4[%mul3A_12, %dma_start3A] : memref<2560x128xi32, #tpu.memory_space<hbm>> -> memref<80x128xi32, #tpu.memory_space<hbm>>
      %dma_start3A_51 = arith.constant 0 : i32
      %dma_start3A_52 = tpu.memref_slice %arg4[%mul3A_12, %dma_start3A_51] : memref<2560x128xi32, #tpu.memory_space<hbm>> -> memref<80x128xi32, #tpu.memory_space<hbm>>
      tpu.enqueue_dma source(%dma_start3A_52 : memref<80x128xi32, #tpu.memory_space<hbm>>) target(%arg9 : memref<80x128xi32, #tpu.memory_space<vmem>>) target_semaphore(%run_scoped3A : memref<!tpu.dma_semaphore, #tpu.memory_space<semaphore_mem>>)
      %dma_wait3A = arith.constant 0 : i32
      %dma_wait3A_53 = tpu.memref_slice %arg4[%mul3A_12, %dma_wait3A] : memref<2560x128xi32, #tpu.memory_space<hbm>> -> memref<80x128xi32, #tpu.memory_space<hbm>>
      %dma_wait3A_54 = arith.constant 0 : i32
      %dma_wait3A_55 = tpu.memref_slice %arg4[%mul3A_12, %dma_wait3A_54] : memref<2560x128xi32, #tpu.memory_space<hbm>> -> memref<80x128xi32, #tpu.memory_space<hbm>>
      tpu.wait_dma2 semaphore(%run_scoped3A : memref<!tpu.dma_semaphore, #tpu.memory_space<semaphore_mem>>) src(%dma_wait3A_55 : memref<80x128xi32, #tpu.memory_space<hbm>>) dst(%arg9 : memref<80x128xi32, #tpu.memory_space<vmem>>)
      tpu.yield
    }) : () -> ()
    %scan3A = arith.constant 0 : i32
    %scan3A_13 = arith.constant 0 : i32
    %scan3A_14 = arith.constant 80 : i32
    %scan3A_15 = arith.addi %scan3A_13, %scan3A_14 : i32
    %scan3A_16 = arith.constant 1 : i32
    scf.for %scan3A_50 = %scan3A_13 to %scan3A_15 step %scan3A_16  : i32 {
      %dma_start3A = arith.constant 0 : i32
      %dma_start3A_51 = tpu.memref_slice %arg8[%scan3A_50, %dma_start3A] : memref<80x128xi32, #tpu.memory_space<vmem>> -> memref<1x128xi32, #tpu.memory_space<vmem>>
      %dma_start3A_52 = tpu.memref_squeeze %dma_start3A_51 : memref<1x128xi32, #tpu.memory_space<vmem>> -> memref<128xi32, #tpu.memory_space<vmem>>
      %dma_start3A_53 = arith.constant 0 : i32
      %dma_start3A_54 = arith.constant 0 : i32
      %dma_start3A_55 = tpu.memref_slice %arg2[%dma_start3A_53, %dma_start3A_54] : memref<10000x128xf32, #tpu.memory_space<hbm>> -> memref<10000x128xf32, #tpu.memory_space<hbm>>
      tpu.enqueue_indirect_dma source(%dma_start3A_55 : memref<10000x128xf32, #tpu.memory_space<hbm>>) target(%arg10 : memref<128x128xf32, #tpu.memory_space<vmem>>) offsets(%dma_start3A_52 : memref<128xi32, #tpu.memory_space<vmem>>) semaphore(%arg12 : memref<!tpu.dma_semaphore, #tpu.memory_space<semaphore_mem>>)
      %dma_wait3A = arith.constant 0 : i32
      %dma_wait3A_56 = tpu.memref_slice %arg8[%scan3A_50, %dma_wait3A] : memref<80x128xi32, #tpu.memory_space<vmem>> -> memref<1x128xi32, #tpu.memory_space<vmem>>
      %dma_wait3A_57 = tpu.memref_squeeze %dma_wait3A_56 : memref<1x128xi32, #tpu.memory_space<vmem>> -> memref<128xi32, #tpu.memory_space<vmem>>
      %dma_wait3A_58 = arith.constant 0 : i32
      %dma_wait3A_59 = arith.constant 0 : i32
      %dma_wait3A_60 = tpu.memref_slice %arg2[%dma_wait3A_58, %dma_wait3A_59] : memref<10000x128xf32, #tpu.memory_space<hbm>> -> memref<10000x128xf32, #tpu.memory_space<hbm>>
      tpu.wait_indirect_dma semaphore(%arg12 : memref<!tpu.dma_semaphore, #tpu.memory_space<semaphore_mem>>) src(%dma_wait3A_60 : memref<10000x128xf32, #tpu.memory_space<hbm>>) dst(%arg10 : memref<128x128xf32, #tpu.memory_space<vmem>>)
      "tpu.region"() ({
        %run_scoped3A = tpu.sem_alloc : memref<!tpu.dma_semaphore, #tpu.memory_space<semaphore_mem>>
        %dma_start3A_61 = arith.constant 0 : i32
        %dma_start3A_62 = tpu.memref_slice %arg9[%scan3A_50, %dma_start3A_61] : memref<80x128xi32, #tpu.memory_space<vmem>> -> memref<1x128xi32, #tpu.memory_space<vmem>>
        %dma_start3A_63 = tpu.memref_squeeze %dma_start3A_62 : memref<1x128xi32, #tpu.memory_space<vmem>> -> memref<128xi32, #tpu.memory_space<vmem>>
        %dma_start3A_64 = arith.constant 0 : i32
        %dma_start3A_65 = arith.constant 0 : i32
        %dma_start3A_66 = tpu.memref_slice %arg11[%dma_start3A_64, %dma_start3A_65] : memref<10256x128xf32, #tpu.memory_space<vmem_shared>> -> memref<10256x128xf32, #tpu.memory_space<vmem_shared>>
        tpu.enqueue_indirect_dma source(%arg10 : memref<128x128xf32, #tpu.memory_space<vmem>>) target(%dma_start3A_66 : memref<10256x128xf32, #tpu.memory_space<vmem_shared>>) offsets(%dma_start3A_63 : memref<128xi32, #tpu.memory_space<vmem>>) semaphore(%run_scoped3A : memref<!tpu.dma_semaphore, #tpu.memory_space<semaphore_mem>>) {add = true}
        %dma_wait3A_67 = arith.constant 0 : i32
        %dma_wait3A_68 = tpu.memref_slice %arg9[%scan3A_50, %dma_wait3A_67] : memref<80x128xi32, #tpu.memory_space<vmem>> -> memref<1x128xi32, #tpu.memory_space<vmem>>
        %dma_wait3A_69 = tpu.memref_squeeze %dma_wait3A_68 : memref<1x128xi32, #tpu.memory_space<vmem>> -> memref<128xi32, #tpu.memory_space<vmem>>
        %dma_wait3A_70 = arith.constant 0 : i32
        %dma_wait3A_71 = arith.constant 0 : i32
        %dma_wait3A_72 = tpu.memref_slice %arg11[%dma_wait3A_70, %dma_wait3A_71] : memref<10256x128xf32, #tpu.memory_space<vmem_shared>> -> memref<10256x128xf32, #tpu.memory_space<vmem_shared>>
        tpu.wait_indirect_dma semaphore(%run_scoped3A : memref<!tpu.dma_semaphore, #tpu.memory_space<semaphore_mem>>) src(%arg10 : memref<128x128xf32, #tpu.memory_space<vmem>>) dst(%dma_wait3A_72 : memref<10256x128xf32, #tpu.memory_space<vmem_shared>>)
        tpu.yield
      }) : () -> ()
    }
    %scan3A_17 = arith.constant 80 : i32
    %barrier3A_18 = arith.constant 0 : index
    tpu.barrier barrier_id(%barrier3A_18)
    %eq3A_19 = arith.constant 0 : i32
    %eq3A_20 = arith.cmpi eq, %arg0, %eq3A_19 : i32
    %lt3A_21 = arith.constant 15 : i32
    %lt3A_22 = arith.cmpi slt, %arg1, %lt3A_21 : i32
    %and3A = arith.andi %eq3A_20, %lt3A_22 : i1
    %convert_element_type3A_23 = arith.extui %and3A : i1 to i32
    %cond3A_24 = arith.constant 0 : i32
    %cond3A_25 = arith.cmpi ne, %convert_element_type3A_23, %cond3A_24 : i32
    scf.if %cond3A_25 {
      "tpu.region"() ({
        %run_scoped3A = tpu.sem_alloc : memref<!tpu.dma_semaphore, #tpu.memory_space<semaphore_mem>>
        %dma_start3A = arith.constant 0 : i32
        %dma_start3A_50 = tpu.memref_slice %arg6[%mul3A_0, %dma_start3A] : memref<10000x128xf32, #tpu.memory_space<hbm>> -> memref<624x128xf32, #tpu.memory_space<hbm>>
        %dma_start3A_51 = arith.constant 0 : i32
        %dma_start3A_52 = tpu.memref_slice %arg11[%mul3A_0, %dma_start3A_51] : memref<10256x128xf32, #tpu.memory_space<vmem_shared>> -> memref<624x128xf32, #tpu.memory_space<vmem_shared>>
        tpu.enqueue_dma source(%dma_start3A_52 : memref<624x128xf32, #tpu.memory_space<vmem_shared>>) target(%dma_start3A_50 : memref<624x128xf32, #tpu.memory_space<hbm>>) target_semaphore(%run_scoped3A : memref<!tpu.dma_semaphore, #tpu.memory_space<semaphore_mem>>)
        %dma_wait3A = arith.constant 0 : i32
        %dma_wait3A_53 = tpu.memref_slice %arg6[%mul3A_0, %dma_wait3A] : memref<10000x128xf32, #tpu.memory_space<hbm>> -> memref<624x128xf32, #tpu.memory_space<hbm>>
        %dma_wait3A_54 = arith.constant 0 : i32
        %dma_wait3A_55 = tpu.memref_slice %arg11[%mul3A_0, %dma_wait3A_54] : memref<10256x128xf32, #tpu.memory_space<vmem_shared>> -> memref<624x128xf32, #tpu.memory_space<vmem_shared>>
        tpu.wait_dma2 semaphore(%run_scoped3A : memref<!tpu.dma_semaphore, #tpu.memory_space<semaphore_mem>>) src(%dma_wait3A_55 : memref<624x128xf32, #tpu.memory_space<vmem_shared>>) dst(%dma_wait3A_53 : memref<624x128xf32, #tpu.memory_space<hbm>>)
        tpu.yield
      }) : () -> ()
    } else {
    }
    %eq3A_26 = arith.constant 0 : i32
    %eq3A_27 = arith.cmpi eq, %arg0, %eq3A_26 : i32
    %eq3A_28 = arith.constant 15 : i32
    %eq3A_29 = arith.cmpi eq, %arg1, %eq3A_28 : i32
    %and3A_30 = arith.andi %eq3A_27, %eq3A_29 : i1
    %convert_element_type3A_31 = arith.extui %and3A_30 : i1 to i32
    %cond3A_32 = arith.constant 0 : i32
    %cond3A_33 = arith.cmpi ne, %convert_element_type3A_31, %cond3A_32 : i32
    scf.if %cond3A_33 {
      "tpu.region"() ({
        %run_scoped3A = tpu.sem_alloc : memref<!tpu.dma_semaphore, #tpu.memory_space<semaphore_mem>>
        %dma_start3A = arith.constant 9360 : i32
        %dma_start3A_50 = arith.constant 0 : i32
        %dma_start3A_51 = tpu.memref_slice %arg6[%dma_start3A, %dma_start3A_50] : memref<10000x128xf32, #tpu.memory_space<hbm>> -> memref<640x128xf32, #tpu.memory_space<hbm>>
        %dma_start3A_52 = arith.constant 9360 : i32
        %dma_start3A_53 = arith.constant 0 : i32
        %dma_start3A_54 = tpu.memref_slice %arg11[%dma_start3A_52, %dma_start3A_53] : memref<10256x128xf32, #tpu.memory_space<vmem_shared>> -> memref<640x128xf32, #tpu.memory_space<vmem_shared>>
        tpu.enqueue_dma source(%dma_start3A_54 : memref<640x128xf32, #tpu.memory_space<vmem_shared>>) target(%dma_start3A_51 : memref<640x128xf32, #tpu.memory_space<hbm>>) target_semaphore(%run_scoped3A : memref<!tpu.dma_semaphore, #tpu.memory_space<semaphore_mem>>)
        %dma_wait3A = arith.constant 9360 : i32
        %dma_wait3A_55 = arith.constant 0 : i32
        %dma_wait3A_56 = tpu.memref_slice %arg6[%dma_wait3A, %dma_wait3A_55] : memref<10000x128xf32, #tpu.memory_space<hbm>> -> memref<640x128xf32, #tpu.memory_space<hbm>>
        %dma_wait3A_57 = arith.constant 9360 : i32
        %dma_wait3A_58 = arith.constant 0 : i32
        %dma_wait3A_59 = tpu.memref_slice %arg11[%dma_wait3A_57, %dma_wait3A_58] : memref<10256x128xf32, #tpu.memory_space<vmem_shared>> -> memref<640x128xf32, #tpu.memory_space<vmem_shared>>
        tpu.wait_dma2 semaphore(%run_scoped3A : memref<!tpu.dma_semaphore, #tpu.memory_space<semaphore_mem>>) src(%dma_wait3A_59 : memref<640x128xf32, #tpu.memory_space<vmem_shared>>) dst(%dma_wait3A_56 : memref<640x128xf32, #tpu.memory_space<hbm>>)
        tpu.yield
      }) : () -> ()
    } else {
    }
    %eq3A_34 = arith.constant 1 : i32
    %eq3A_35 = arith.cmpi eq, %arg0, %eq3A_34 : i32
    %lt3A_36 = arith.constant 15 : i32
    %lt3A_37 = arith.cmpi slt, %arg1, %lt3A_36 : i32
    %and3A_38 = arith.andi %eq3A_35, %lt3A_37 : i1
    %convert_element_type3A_39 = arith.extui %and3A_38 : i1 to i32
    %cond3A_40 = arith.constant 0 : i32
    %cond3A_41 = arith.cmpi ne, %convert_element_type3A_39, %cond3A_40 : i32
    scf.if %cond3A_41 {
      "tpu.region"() ({
        %run_scoped3A = tpu.sem_alloc : memref<!tpu.dma_semaphore, #tpu.memory_space<semaphore_mem>>
        %dma_start3A = arith.constant 0 : i32
        %dma_start3A_50 = tpu.memref_slice %arg7[%mul3A_0, %dma_start3A] : memref<10000x128xf32, #tpu.memory_space<hbm>> -> memref<624x128xf32, #tpu.memory_space<hbm>>
        %dma_start3A_51 = arith.constant 0 : i32
        %dma_start3A_52 = tpu.memref_slice %arg11[%mul3A_0, %dma_start3A_51] : memref<10256x128xf32, #tpu.memory_space<vmem_shared>> -> memref<624x128xf32, #tpu.memory_space<vmem_shared>>
        tpu.enqueue_dma source(%dma_start3A_52 : memref<624x128xf32, #tpu.memory_space<vmem_shared>>) target(%dma_start3A_50 : memref<624x128xf32, #tpu.memory_space<hbm>>) target_semaphore(%run_scoped3A : memref<!tpu.dma_semaphore, #tpu.memory_space<semaphore_mem>>)
        %dma_wait3A = arith.constant 0 : i32
        %dma_wait3A_53 = tpu.memref_slice %arg7[%mul3A_0, %dma_wait3A] : memref<10000x128xf32, #tpu.memory_space<hbm>> -> memref<624x128xf32, #tpu.memory_space<hbm>>
        %dma_wait3A_54 = arith.constant 0 : i32
        %dma_wait3A_55 = tpu.memref_slice %arg11[%mul3A_0, %dma_wait3A_54] : memref<10256x128xf32, #tpu.memory_space<vmem_shared>> -> memref<624x128xf32, #tpu.memory_space<vmem_shared>>
        tpu.wait_dma2 semaphore(%run_scoped3A : memref<!tpu.dma_semaphore, #tpu.memory_space<semaphore_mem>>) src(%dma_wait3A_55 : memref<624x128xf32, #tpu.memory_space<vmem_shared>>) dst(%dma_wait3A_53 : memref<624x128xf32, #tpu.memory_space<hbm>>)
        tpu.yield
      }) : () -> ()
    } else {
    }
    %eq3A_42 = arith.constant 1 : i32
    %eq3A_43 = arith.cmpi eq, %arg0, %eq3A_42 : i32
    %eq3A_44 = arith.constant 15 : i32
    %eq3A_45 = arith.cmpi eq, %arg1, %eq3A_44 : i32
    %and3A_46 = arith.andi %eq3A_43, %eq3A_45 : i1
    %convert_element_type3A_47 = arith.extui %and3A_46 : i1 to i32
    %cond3A_48 = arith.constant 0 : i32
    %cond3A_49 = arith.cmpi ne, %convert_element_type3A_47, %cond3A_48 : i32
    scf.if %cond3A_49 {
      "tpu.region"() ({
        %run_scoped3A = tpu.sem_alloc : memref<!tpu.dma_semaphore, #tpu.memory_space<semaphore_mem>>
        %dma_start3A = arith.constant 9360 : i32
        %dma_start3A_50 = arith.constant 0 : i32
        %dma_start3A_51 = tpu.memref_slice %arg7[%dma_start3A, %dma_start3A_50] : memref<10000x128xf32, #tpu.memory_space<hbm>> -> memref<640x128xf32, #tpu.memory_space<hbm>>
        %dma_start3A_52 = arith.constant 9360 : i32
        %dma_start3A_53 = arith.constant 0 : i32
        %dma_start3A_54 = tpu.memref_slice %arg11[%dma_start3A_52, %dma_start3A_53] : memref<10256x128xf32, #tpu.memory_space<vmem_shared>> -> memref<640x128xf32, #tpu.memory_space<vmem_shared>>
        tpu.enqueue_dma source(%dma_start3A_54 : memref<640x128xf32, #tpu.memory_space<vmem_shared>>) target(%dma_start3A_51 : memref<640x128xf32, #tpu.memory_space<hbm>>) target_semaphore(%run_scoped3A : memref<!tpu.dma_semaphore, #tpu.memory_space<semaphore_mem>>)
        %dma_wait3A = arith.constant 9360 : i32
        %dma_wait3A_55 = arith.constant 0 : i32
        %dma_wait3A_56 = tpu.memref_slice %arg7[%dma_wait3A, %dma_wait3A_55] : memref<10000x128xf32, #tpu.memory_space<hbm>> -> memref<640x128xf32, #tpu.memory_space<hbm>>
        %dma_wait3A_57 = arith.constant 9360 : i32
        %dma_wait3A_58 = arith.constant 0 : i32
        %dma_wait3A_59 = tpu.memref_slice %arg11[%dma_wait3A_57, %dma_wait3A_58] : memref<10256x128xf32, #tpu.memory_space<vmem_shared>> -> memref<640x128xf32, #tpu.memory_space<vmem_shared>>
        tpu.wait_dma2 semaphore(%run_scoped3A : memref<!tpu.dma_semaphore, #tpu.memory_space<semaphore_mem>>) src(%dma_wait3A_59 : memref<640x128xf32, #tpu.memory_space<vmem_shared>>) dst(%dma_wait3A_56 : memref<640x128xf32, #tpu.memory_space<hbm>>)
        tpu.yield
      }) : () -> ()
    } else {
    }
    return
  }
}

#map = affine_map<(d0, d1) -> (0, 0)>
module attributes {stable_mosaic.version = 14 : i64} {
  func.func @sc_agg(%arg0: i32, %arg1: i32, %arg2: memref<10000x128xf32, #tpu.memory_space<hbm>>, %arg3: memref<2560x128xi32, #tpu.memory_space<hbm>>, %arg4: memref<2560x128xi32, #tpu.memory_space<hbm>>, %arg5: memref<10000x128xf32, #tpu.memory_space<hbm>>, %arg6: memref<10000x128xf32, #tpu.memory_space<hbm>>, %arg7: memref<10000x128xf32, #tpu.memory_space<hbm>>, %arg8: memref<80x128xi32, #tpu.memory_space<vmem>>, %arg9: memref<80x128xi32, #tpu.memory_space<vmem>>, %arg10: memref<128x128xf32, #tpu.memory_space<vmem>>, %arg11: memref<10256x128xf32, #tpu.memory_space<vmem_shared>>, %arg12: memref<!tpu.dma_semaphore, #tpu.memory_space<semaphore_mem>>) attributes {dimension_semantics = [#tpu.dimension_semantics<core_parallel>, #tpu.dimension_semantics<subcore_parallel>], iteration_bounds = array<i64: 2, 16>, scalar_prefetch = 0 : i64, scratch_operands = 5 : i64, tpu.core_type = #tpu.core_type<sc_vector_subcore>, window_params = [{transform_indices = #map}, {transform_indices = #map}, {transform_indices = #map}, {transform_indices = #map}, {transform_indices = #map}, {transform_indices = #map}]} {
    %mul3A = arith.constant 624 : i32
    %mul3A_0 = arith.muli %arg1, %mul3A : i32
    %lt3A = arith.constant 15 : i32
    %lt3A_1 = arith.cmpi slt, %arg1, %lt3A : i32
    %convert_element_type3A = arith.extui %lt3A_1 : i1 to i32
    %cond3A = arith.constant 0 : i32
    %cond3A_2 = arith.cmpi ne, %convert_element_type3A, %cond3A : i32
    scf.if %cond3A_2 {
      "tpu.region"() ({
        %run_scoped3A = tpu.sem_alloc : memref<!tpu.dma_semaphore, #tpu.memory_space<semaphore_mem>>
        %dma_start3A = arith.constant 0 : i32
        %dma_start3A_50 = tpu.memref_slice %arg11[%mul3A_0, %dma_start3A] : memref<10256x128xf32, #tpu.memory_space<vmem_shared>> -> memref<624x128xf32, #tpu.memory_space<vmem_shared>>
        %dma_start3A_51 = arith.constant 0 : i32
        %dma_start3A_52 = tpu.memref_slice %arg5[%mul3A_0, %dma_start3A_51] : memref<10000x128xf32, #tpu.memory_space<hbm>> -> memref<624x128xf32, #tpu.memory_space<hbm>>
        tpu.enqueue_dma source(%dma_start3A_52 : memref<624x128xf32, #tpu.memory_space<hbm>>) target(%dma_start3A_50 : memref<624x128xf32, #tpu.memory_space<vmem_shared>>) target_semaphore(%run_scoped3A : memref<!tpu.dma_semaphore, #tpu.memory_space<semaphore_mem>>)
        %dma_wait3A = arith.constant 0 : i32
        %dma_wait3A_53 = tpu.memref_slice %arg11[%mul3A_0, %dma_wait3A] : memref<10256x128xf32, #tpu.memory_space<vmem_shared>> -> memref<624x128xf32, #tpu.memory_space<vmem_shared>>
        %dma_wait3A_54 = arith.constant 0 : i32
        %dma_wait3A_55 = tpu.memref_slice %arg5[%mul3A_0, %dma_wait3A_54] : memref<10000x128xf32, #tpu.memory_space<hbm>> -> memref<624x128xf32, #tpu.memory_space<hbm>>
        tpu.wait_dma2 semaphore(%run_scoped3A : memref<!tpu.dma_semaphore, #tpu.memory_space<semaphore_mem>>) src(%dma_wait3A_55 : memref<624x128xf32, #tpu.memory_space<hbm>>) dst(%dma_wait3A_53 : memref<624x128xf32, #tpu.memory_space<vmem_shared>>)
        tpu.yield
      }) : () -> ()
    } else {
    }
    %eq3A = arith.constant 15 : i32
    %eq3A_3 = arith.cmpi eq, %arg1, %eq3A : i32
    %convert_element_type3A_4 = arith.extui %eq3A_3 : i1 to i32
    %cond3A_5 = arith.constant 0 : i32
    %cond3A_6 = arith.cmpi ne, %convert_element_type3A_4, %cond3A_5 : i32
    scf.if %cond3A_6 {
      "tpu.region"() ({
        %run_scoped3A = tpu.sem_alloc : memref<!tpu.dma_semaphore, #tpu.memory_space<semaphore_mem>>
        %dma_start3A = arith.constant 9360 : i32
        %dma_start3A_50 = arith.constant 0 : i32
        %dma_start3A_51 = tpu.memref_slice %arg11[%dma_start3A, %dma_start3A_50] : memref<10256x128xf32, #tpu.memory_space<vmem_shared>> -> memref<640x128xf32, #tpu.memory_space<vmem_shared>>
        %dma_start3A_52 = arith.constant 9360 : i32
        %dma_start3A_53 = arith.constant 0 : i32
        %dma_start3A_54 = tpu.memref_slice %arg5[%dma_start3A_52, %dma_start3A_53] : memref<10000x128xf32, #tpu.memory_space<hbm>> -> memref<640x128xf32, #tpu.memory_space<hbm>>
        tpu.enqueue_dma source(%dma_start3A_54 : memref<640x128xf32, #tpu.memory_space<hbm>>) target(%dma_start3A_51 : memref<640x128xf32, #tpu.memory_space<vmem_shared>>) target_semaphore(%run_scoped3A : memref<!tpu.dma_semaphore, #tpu.memory_space<semaphore_mem>>)
        %dma_wait3A = arith.constant 9360 : i32
        %dma_wait3A_55 = arith.constant 0 : i32
        %dma_wait3A_56 = tpu.memref_slice %arg11[%dma_wait3A, %dma_wait3A_55] : memref<10256x128xf32, #tpu.memory_space<vmem_shared>> -> memref<640x128xf32, #tpu.memory_space<vmem_shared>>
        %dma_wait3A_57 = arith.constant 9360 : i32
        %dma_wait3A_58 = arith.constant 0 : i32
        %dma_wait3A_59 = tpu.memref_slice %arg5[%dma_wait3A_57, %dma_wait3A_58] : memref<10000x128xf32, #tpu.memory_space<hbm>> -> memref<640x128xf32, #tpu.memory_space<hbm>>
        tpu.wait_dma2 semaphore(%run_scoped3A : memref<!tpu.dma_semaphore, #tpu.memory_space<semaphore_mem>>) src(%dma_wait3A_59 : memref<640x128xf32, #tpu.memory_space<hbm>>) dst(%dma_wait3A_56 : memref<640x128xf32, #tpu.memory_space<vmem_shared>>)
        tpu.yield
      }) : () -> ()
    } else {
    }
    %barrier3A = arith.constant 0 : index
    tpu.barrier barrier_id(%barrier3A)
    %mul3A_7 = arith.constant 16 : i32
    %mul3A_8 = arith.muli %arg0, %mul3A_7 : i32
    %add3A = arith.addi %mul3A_8, %arg1 : i32
    %mul3A_9 = arith.constant 80 : i32
    %mul3A_10 = arith.muli %add3A, %mul3A_9 : i32
    "tpu.region"() ({
      %run_scoped3A = tpu.sem_alloc : memref<!tpu.dma_semaphore, #tpu.memory_space<semaphore_mem>>
      %dma_start3A = arith.constant 0 : i32
      %dma_start3A_50 = tpu.memref_slice %arg3[%mul3A_10, %dma_start3A] : memref<2560x128xi32, #tpu.memory_space<hbm>> -> memref<80x128xi32, #tpu.memory_space<hbm>>
      %dma_start3A_51 = arith.constant 0 : i32
      %dma_start3A_52 = tpu.memref_slice %arg3[%mul3A_10, %dma_start3A_51] : memref<2560x128xi32, #tpu.memory_space<hbm>> -> memref<80x128xi32, #tpu.memory_space<hbm>>
      tpu.enqueue_dma source(%dma_start3A_52 : memref<80x128xi32, #tpu.memory_space<hbm>>) target(%arg8 : memref<80x128xi32, #tpu.memory_space<vmem>>) target_semaphore(%run_scoped3A : memref<!tpu.dma_semaphore, #tpu.memory_space<semaphore_mem>>)
      %dma_wait3A = arith.constant 0 : i32
      %dma_wait3A_53 = tpu.memref_slice %arg3[%mul3A_10, %dma_wait3A] : memref<2560x128xi32, #tpu.memory_space<hbm>> -> memref<80x128xi32, #tpu.memory_space<hbm>>
      %dma_wait3A_54 = arith.constant 0 : i32
      %dma_wait3A_55 = tpu.memref_slice %arg3[%mul3A_10, %dma_wait3A_54] : memref<2560x128xi32, #tpu.memory_space<hbm>> -> memref<80x128xi32, #tpu.memory_space<hbm>>
      tpu.wait_dma2 semaphore(%run_scoped3A : memref<!tpu.dma_semaphore, #tpu.memory_space<semaphore_mem>>) src(%dma_wait3A_55 : memref<80x128xi32, #tpu.memory_space<hbm>>) dst(%arg8 : memref<80x128xi32, #tpu.memory_space<vmem>>)
      tpu.yield
    }) : () -> ()
    %mul3A_11 = arith.constant 80 : i32
    %mul3A_12 = arith.muli %add3A, %mul3A_11 : i32
    "tpu.region"() ({
      %run_scoped3A = tpu.sem_alloc : memref<!tpu.dma_semaphore, #tpu.memory_space<semaphore_mem>>
      %dma_start3A = arith.constant 0 : i32
      %dma_start3A_50 = tpu.memref_slice %arg4[%mul3A_12, %dma_start3A] : memref<2560x128xi32, #tpu.memory_space<hbm>> -> memref<80x128xi32, #tpu.memory_space<hbm>>
      %dma_start3A_51 = arith.constant 0 : i32
      %dma_start3A_52 = tpu.memref_slice %arg4[%mul3A_12, %dma_start3A_51] : memref<2560x128xi32, #tpu.memory_space<hbm>> -> memref<80x128xi32, #tpu.memory_space<hbm>>
      tpu.enqueue_dma source(%dma_start3A_52 : memref<80x128xi32, #tpu.memory_space<hbm>>) target(%arg9 : memref<80x128xi32, #tpu.memory_space<vmem>>) target_semaphore(%run_scoped3A : memref<!tpu.dma_semaphore, #tpu.memory_space<semaphore_mem>>)
      %dma_wait3A = arith.constant 0 : i32
      %dma_wait3A_53 = tpu.memref_slice %arg4[%mul3A_12, %dma_wait3A] : memref<2560x128xi32, #tpu.memory_space<hbm>> -> memref<80x128xi32, #tpu.memory_space<hbm>>
      %dma_wait3A_54 = arith.constant 0 : i32
      %dma_wait3A_55 = tpu.memref_slice %arg4[%mul3A_12, %dma_wait3A_54] : memref<2560x128xi32, #tpu.memory_space<hbm>> -> memref<80x128xi32, #tpu.memory_space<hbm>>
      tpu.wait_dma2 semaphore(%run_scoped3A : memref<!tpu.dma_semaphore, #tpu.memory_space<semaphore_mem>>) src(%dma_wait3A_55 : memref<80x128xi32, #tpu.memory_space<hbm>>) dst(%arg9 : memref<80x128xi32, #tpu.memory_space<vmem>>)
      tpu.yield
    }) : () -> ()
    %scan3A = arith.constant 0 : i32
    %scan3A_13 = arith.constant 0 : i32
    %scan3A_14 = arith.constant 80 : i32
    %scan3A_15 = arith.addi %scan3A_13, %scan3A_14 : i32
    %scan3A_16 = arith.constant 1 : i32
    scf.for %scan3A_50 = %scan3A_13 to %scan3A_15 step %scan3A_16  : i32 {
      %dma_start3A = arith.constant 0 : i32
      %dma_start3A_51 = tpu.memref_slice %arg8[%scan3A_50, %dma_start3A] : memref<80x128xi32, #tpu.memory_space<vmem>> -> memref<1x128xi32, #tpu.memory_space<vmem>>
      %dma_start3A_52 = tpu.memref_squeeze %dma_start3A_51 : memref<1x128xi32, #tpu.memory_space<vmem>> -> memref<128xi32, #tpu.memory_space<vmem>>
      %dma_start3A_53 = arith.constant 0 : i32
      %dma_start3A_54 = arith.constant 0 : i32
      %dma_start3A_55 = tpu.memref_slice %arg2[%dma_start3A_53, %dma_start3A_54] : memref<10000x128xf32, #tpu.memory_space<hbm>> -> memref<10000x128xf32, #tpu.memory_space<hbm>>
      tpu.enqueue_indirect_dma source(%dma_start3A_55 : memref<10000x128xf32, #tpu.memory_space<hbm>>) target(%arg10 : memref<128x128xf32, #tpu.memory_space<vmem>>) offsets(%dma_start3A_52 : memref<128xi32, #tpu.memory_space<vmem>>) semaphore(%arg12 : memref<!tpu.dma_semaphore, #tpu.memory_space<semaphore_mem>>)
      %dma_wait3A = arith.constant 0 : i32
      %dma_wait3A_56 = tpu.memref_slice %arg8[%scan3A_50, %dma_wait3A] : memref<80x128xi32, #tpu.memory_space<vmem>> -> memref<1x128xi32, #tpu.memory_space<vmem>>
      %dma_wait3A_57 = tpu.memref_squeeze %dma_wait3A_56 : memref<1x128xi32, #tpu.memory_space<vmem>> -> memref<128xi32, #tpu.memory_space<vmem>>
      %dma_wait3A_58 = arith.constant 0 : i32
      %dma_wait3A_59 = arith.constant 0 : i32
      %dma_wait3A_60 = tpu.memref_slice %arg2[%dma_wait3A_58, %dma_wait3A_59] : memref<10000x128xf32, #tpu.memory_space<hbm>> -> memref<10000x128xf32, #tpu.memory_space<hbm>>
      tpu.wait_indirect_dma semaphore(%arg12 : memref<!tpu.dma_semaphore, #tpu.memory_space<semaphore_mem>>) src(%dma_wait3A_60 : memref<10000x128xf32, #tpu.memory_space<hbm>>) dst(%arg10 : memref<128x128xf32, #tpu.memory_space<vmem>>)
      "tpu.region"() ({
        %run_scoped3A = tpu.sem_alloc : memref<!tpu.dma_semaphore, #tpu.memory_space<semaphore_mem>>
        %dma_start3A_61 = arith.constant 0 : i32
        %dma_start3A_62 = tpu.memref_slice %arg9[%scan3A_50, %dma_start3A_61] : memref<80x128xi32, #tpu.memory_space<vmem>> -> memref<1x128xi32, #tpu.memory_space<vmem>>
        %dma_start3A_63 = tpu.memref_squeeze %dma_start3A_62 : memref<1x128xi32, #tpu.memory_space<vmem>> -> memref<128xi32, #tpu.memory_space<vmem>>
        %dma_start3A_64 = arith.constant 0 : i32
        %dma_start3A_65 = arith.constant 0 : i32
        %dma_start3A_66 = tpu.memref_slice %arg11[%dma_start3A_64, %dma_start3A_65] : memref<10256x128xf32, #tpu.memory_space<vmem_shared>> -> memref<10256x128xf32, #tpu.memory_space<vmem_shared>>
        tpu.enqueue_indirect_dma source(%arg10 : memref<128x128xf32, #tpu.memory_space<vmem>>) target(%dma_start3A_66 : memref<10256x128xf32, #tpu.memory_space<vmem_shared>>) offsets(%dma_start3A_63 : memref<128xi32, #tpu.memory_space<vmem>>) semaphore(%run_scoped3A : memref<!tpu.dma_semaphore, #tpu.memory_space<semaphore_mem>>) {add = true}
        %dma_wait3A_67 = arith.constant 0 : i32
        %dma_wait3A_68 = tpu.memref_slice %arg9[%scan3A_50, %dma_wait3A_67] : memref<80x128xi32, #tpu.memory_space<vmem>> -> memref<1x128xi32, #tpu.memory_space<vmem>>
        %dma_wait3A_69 = tpu.memref_squeeze %dma_wait3A_68 : memref<1x128xi32, #tpu.memory_space<vmem>> -> memref<128xi32, #tpu.memory_space<vmem>>
        %dma_wait3A_70 = arith.constant 0 : i32
        %dma_wait3A_71 = arith.constant 0 : i32
        %dma_wait3A_72 = tpu.memref_slice %arg11[%dma_wait3A_70, %dma_wait3A_71] : memref<10256x128xf32, #tpu.memory_space<vmem_shared>> -> memref<10256x128xf32, #tpu.memory_space<vmem_shared>>
        tpu.wait_indirect_dma semaphore(%run_scoped3A : memref<!tpu.dma_semaphore, #tpu.memory_space<semaphore_mem>>) src(%arg10 : memref<128x128xf32, #tpu.memory_space<vmem>>) dst(%dma_wait3A_72 : memref<10256x128xf32, #tpu.memory_space<vmem_shared>>)
        tpu.yield
      }) : () -> ()
    }
    %scan3A_17 = arith.constant 80 : i32
    %barrier3A_18 = arith.constant 0 : index
    tpu.barrier barrier_id(%barrier3A_18)
    %eq3A_19 = arith.constant 0 : i32
    %eq3A_20 = arith.cmpi eq, %arg0, %eq3A_19 : i32
    %lt3A_21 = arith.constant 15 : i32
    %lt3A_22 = arith.cmpi slt, %arg1, %lt3A_21 : i32
    %and3A = arith.andi %eq3A_20, %lt3A_22 : i1
    %convert_element_type3A_23 = arith.extui %and3A : i1 to i32
    %cond3A_24 = arith.constant 0 : i32
    %cond3A_25 = arith.cmpi ne, %convert_element_type3A_23, %cond3A_24 : i32
    scf.if %cond3A_25 {
      "tpu.region"() ({
        %run_scoped3A = tpu.sem_alloc : memref<!tpu.dma_semaphore, #tpu.memory_space<semaphore_mem>>
        %dma_start3A = arith.constant 0 : i32
        %dma_start3A_50 = tpu.memref_slice %arg6[%mul3A_0, %dma_start3A] : memref<10000x128xf32, #tpu.memory_space<hbm>> -> memref<624x128xf32, #tpu.memory_space<hbm>>
        %dma_start3A_51 = arith.constant 0 : i32
        %dma_start3A_52 = tpu.memref_slice %arg11[%mul3A_0, %dma_start3A_51] : memref<10256x128xf32, #tpu.memory_space<vmem_shared>> -> memref<624x128xf32, #tpu.memory_space<vmem_shared>>
        tpu.enqueue_dma source(%dma_start3A_52 : memref<624x128xf32, #tpu.memory_space<vmem_shared>>) target(%dma_start3A_50 : memref<624x128xf32, #tpu.memory_space<hbm>>) target_semaphore(%run_scoped3A : memref<!tpu.dma_semaphore, #tpu.memory_space<semaphore_mem>>)
        %dma_wait3A = arith.constant 0 : i32
        %dma_wait3A_53 = tpu.memref_slice %arg6[%mul3A_0, %dma_wait3A] : memref<10000x128xf32, #tpu.memory_space<hbm>> -> memref<624x128xf32, #tpu.memory_space<hbm>>
        %dma_wait3A_54 = arith.constant 0 : i32
        %dma_wait3A_55 = tpu.memref_slice %arg11[%mul3A_0, %dma_wait3A_54] : memref<10256x128xf32, #tpu.memory_space<vmem_shared>> -> memref<624x128xf32, #tpu.memory_space<vmem_shared>>
        tpu.wait_dma2 semaphore(%run_scoped3A : memref<!tpu.dma_semaphore, #tpu.memory_space<semaphore_mem>>) src(%dma_wait3A_55 : memref<624x128xf32, #tpu.memory_space<vmem_shared>>) dst(%dma_wait3A_53 : memref<624x128xf32, #tpu.memory_space<hbm>>)
        tpu.yield
      }) : () -> ()
    } else {
    }
    %eq3A_26 = arith.constant 0 : i32
    %eq3A_27 = arith.cmpi eq, %arg0, %eq3A_26 : i32
    %eq3A_28 = arith.constant 15 : i32
    %eq3A_29 = arith.cmpi eq, %arg1, %eq3A_28 : i32
    %and3A_30 = arith.andi %eq3A_27, %eq3A_29 : i1
    %convert_element_type3A_31 = arith.extui %and3A_30 : i1 to i32
    %cond3A_32 = arith.constant 0 : i32
    %cond3A_33 = arith.cmpi ne, %convert_element_type3A_31, %cond3A_32 : i32
    scf.if %cond3A_33 {
      "tpu.region"() ({
        %run_scoped3A = tpu.sem_alloc : memref<!tpu.dma_semaphore, #tpu.memory_space<semaphore_mem>>
        %dma_start3A = arith.constant 9360 : i32
        %dma_start3A_50 = arith.constant 0 : i32
        %dma_start3A_51 = tpu.memref_slice %arg6[%dma_start3A, %dma_start3A_50] : memref<10000x128xf32, #tpu.memory_space<hbm>> -> memref<640x128xf32, #tpu.memory_space<hbm>>
        %dma_start3A_52 = arith.constant 9360 : i32
        %dma_start3A_53 = arith.constant 0 : i32
        %dma_start3A_54 = tpu.memref_slice %arg11[%dma_start3A_52, %dma_start3A_53] : memref<10256x128xf32, #tpu.memory_space<vmem_shared>> -> memref<640x128xf32, #tpu.memory_space<vmem_shared>>
        tpu.enqueue_dma source(%dma_start3A_54 : memref<640x128xf32, #tpu.memory_space<vmem_shared>>) target(%dma_start3A_51 : memref<640x128xf32, #tpu.memory_space<hbm>>) target_semaphore(%run_scoped3A : memref<!tpu.dma_semaphore, #tpu.memory_space<semaphore_mem>>)
        %dma_wait3A = arith.constant 9360 : i32
        %dma_wait3A_55 = arith.constant 0 : i32
        %dma_wait3A_56 = tpu.memref_slice %arg6[%dma_wait3A, %dma_wait3A_55] : memref<10000x128xf32, #tpu.memory_space<hbm>> -> memref<640x128xf32, #tpu.memory_space<hbm>>
        %dma_wait3A_57 = arith.constant 9360 : i32
        %dma_wait3A_58 = arith.constant 0 : i32
        %dma_wait3A_59 = tpu.memref_slice %arg11[%dma_wait3A_57, %dma_wait3A_58] : memref<10256x128xf32, #tpu.memory_space<vmem_shared>> -> memref<640x128xf32, #tpu.memory_space<vmem_shared>>
        tpu.wait_dma2 semaphore(%run_scoped3A : memref<!tpu.dma_semaphore, #tpu.memory_space<semaphore_mem>>) src(%dma_wait3A_59 : memref<640x128xf32, #tpu.memory_space<vmem_shared>>) dst(%dma_wait3A_56 : memref<640x128xf32, #tpu.memory_space<hbm>>)
        tpu.yield
      }) : () -> ()
    } else {
    }
    %eq3A_34 = arith.constant 1 : i32
    %eq3A_35 = arith.cmpi eq, %arg0, %eq3A_34 : i32
    %lt3A_36 = arith.constant 15 : i32
    %lt3A_37 = arith.cmpi slt, %arg1, %lt3A_36 : i32
    %and3A_38 = arith.andi %eq3A_35, %lt3A_37 : i1
    %convert_element_type3A_39 = arith.extui %and3A_38 : i1 to i32
    %cond3A_40 = arith.constant 0 : i32
    %cond3A_41 = arith.cmpi ne, %convert_element_type3A_39, %cond3A_40 : i32
    scf.if %cond3A_41 {
      "tpu.region"() ({
        %run_scoped3A = tpu.sem_alloc : memref<!tpu.dma_semaphore, #tpu.memory_space<semaphore_mem>>
        %dma_start3A = arith.constant 0 : i32
        %dma_start3A_50 = tpu.memref_slice %arg7[%mul3A_0, %dma_start3A] : memref<10000x128xf32, #tpu.memory_space<hbm>> -> memref<624x128xf32, #tpu.memory_space<hbm>>
        %dma_start3A_51 = arith.constant 0 : i32
        %dma_start3A_52 = tpu.memref_slice %arg11[%mul3A_0, %dma_start3A_51] : memref<10256x128xf32, #tpu.memory_space<vmem_shared>> -> memref<624x128xf32, #tpu.memory_space<vmem_shared>>
        tpu.enqueue_dma source(%dma_start3A_52 : memref<624x128xf32, #tpu.memory_space<vmem_shared>>) target(%dma_start3A_50 : memref<624x128xf32, #tpu.memory_space<hbm>>) target_semaphore(%run_scoped3A : memref<!tpu.dma_semaphore, #tpu.memory_space<semaphore_mem>>)
        %dma_wait3A = arith.constant 0 : i32
        %dma_wait3A_53 = tpu.memref_slice %arg7[%mul3A_0, %dma_wait3A] : memref<10000x128xf32, #tpu.memory_space<hbm>> -> memref<624x128xf32, #tpu.memory_space<hbm>>
        %dma_wait3A_54 = arith.constant 0 : i32
        %dma_wait3A_55 = tpu.memref_slice %arg11[%mul3A_0, %dma_wait3A_54] : memref<10256x128xf32, #tpu.memory_space<vmem_shared>> -> memref<624x128xf32, #tpu.memory_space<vmem_shared>>
        tpu.wait_dma2 semaphore(%run_scoped3A : memref<!tpu.dma_semaphore, #tpu.memory_space<semaphore_mem>>) src(%dma_wait3A_55 : memref<624x128xf32, #tpu.memory_space<vmem_shared>>) dst(%dma_wait3A_53 : memref<624x128xf32, #tpu.memory_space<hbm>>)
        tpu.yield
      }) : () -> ()
    } else {
    }
    %eq3A_42 = arith.constant 1 : i32
    %eq3A_43 = arith.cmpi eq, %arg0, %eq3A_42 : i32
    %eq3A_44 = arith.constant 15 : i32
    %eq3A_45 = arith.cmpi eq, %arg1, %eq3A_44 : i32
    %and3A_46 = arith.andi %eq3A_43, %eq3A_45 : i1
    %convert_element_type3A_47 = arith.extui %and3A_46 : i1 to i32
    %cond3A_48 = arith.constant 0 : i32
    %cond3A_49 = arith.cmpi ne, %convert_element_type3A_47, %cond3A_48 : i32
    scf.if %cond3A_49 {
      "tpu.region"() ({
        %run_scoped3A = tpu.sem_alloc : memref<!tpu.dma_semaphore, #tpu.memory_space<semaphore_mem>>
        %dma_start3A = arith.constant 9360 : i32
        %dma_start3A_50 = arith.constant 0 : i32
        %dma_start3A_51 = tpu.memref_slice %arg7[%dma_start3A, %dma_start3A_50] : memref<10000x128xf32, #tpu.memory_space<hbm>> -> memref<640x128xf32, #tpu.memory_space<hbm>>
        %dma_start3A_52 = arith.constant 9360 : i32
        %dma_start3A_53 = arith.constant 0 : i32
        %dma_start3A_54 = tpu.memref_slice %arg11[%dma_start3A_52, %dma_start3A_53] : memref<10256x128xf32, #tpu.memory_space<vmem_shared>> -> memref<640x128xf32, #tpu.memory_space<vmem_shared>>
        tpu.enqueue_dma source(%dma_start3A_54 : memref<640x128xf32, #tpu.memory_space<vmem_shared>>) target(%dma_start3A_51 : memref<640x128xf32, #tpu.memory_space<hbm>>) target_semaphore(%run_scoped3A : memref<!tpu.dma_semaphore, #tpu.memory_space<semaphore_mem>>)
        %dma_wait3A = arith.constant 9360 : i32
        %dma_wait3A_55 = arith.constant 0 : i32
        %dma_wait3A_56 = tpu.memref_slice %arg7[%dma_wait3A, %dma_wait3A_55] : memref<10000x128xf32, #tpu.memory_space<hbm>> -> memref<640x128xf32, #tpu.memory_space<hbm>>
        %dma_wait3A_57 = arith.constant 9360 : i32
        %dma_wait3A_58 = arith.constant 0 : i32
        %dma_wait3A_59 = tpu.memref_slice %arg11[%dma_wait3A_57, %dma_wait3A_58] : memref<10256x128xf32, #tpu.memory_space<vmem_shared>> -> memref<640x128xf32, #tpu.memory_space<vmem_shared>>
        tpu.wait_dma2 semaphore(%run_scoped3A : memref<!tpu.dma_semaphore, #tpu.memory_space<semaphore_mem>>) src(%dma_wait3A_59 : memref<640x128xf32, #tpu.memory_space<vmem_shared>>) dst(%dma_wait3A_56 : memref<640x128xf32, #tpu.memory_space<hbm>>)
        tpu.yield
      }) : () -> ()
    } else {
    }
    return
  }
}

module attributes {stable_mosaic.version = 14 : i64} {
  func.func @_tc_final_body(%arg0: i32, %arg1: memref<1000x128xf32, #tpu.memory_space<vmem>>, %arg2: memref<1000x128xf32, #tpu.memory_space<vmem>>, %arg3: memref<1000x128xf32, #tpu.memory_space<vmem>>, %arg4: memref<128x128xf32, #tpu.memory_space<vmem>>, %arg5: memref<128x128xf32, #tpu.memory_space<vmem>>, %arg6: memref<1x128xf32, #tpu.memory_space<vmem>>, %arg7: memref<1x1x1000xi32, #tpu.memory_space<vmem>>, %arg8: memref<128x128xf32, #tpu.memory_space<vmem>>, %arg9: memref<1x128xf32, #tpu.memory_space<vmem>>, %arg10: memref<128x10xf32, #tpu.memory_space<vmem>>, %arg11: memref<1x10xf32, #tpu.memory_space<vmem>>, %arg12: memref<128x10xf32, #tpu.memory_space<vmem>>, %arg13: memref<128x128xf32, #tpu.memory_space<vmem>>, %arg14: memref<128x128xf32, #tpu.memory_space<vmem>>) attributes {dimension_semantics = [#tpu.dimension_semantics<arbitrary>], iteration_bounds = array<i64: 10>, scalar_prefetch = 0 : i64, scratch_operands = 2 : i64, tpu.core_type = #tpu.core_type<tc>, window_params = [{transform_indices = @transform_0, window_bounds = array<i64: 1000, 128>}, {transform_indices = @transform_1, window_bounds = array<i64: 1000, 128>}, {transform_indices = @transform_2, window_bounds = array<i64: 1000, 128>}, {pipeline_mode = #tpu.pipeline_mode<synchronous>, transform_indices = @transform_3, window_bounds = array<i64: 128, 128>}, {pipeline_mode = #tpu.pipeline_mode<synchronous>, transform_indices = @transform_4, window_bounds = array<i64: 128, 128>}, {pipeline_mode = #tpu.pipeline_mode<synchronous>, transform_indices = @transform_5, window_bounds = array<i64: 1, 128>}, {transform_indices = @transform_6, window_bounds = array<i64: 1, 1, 1000>}, {pipeline_mode = #tpu.pipeline_mode<synchronous>, transform_indices = @transform_7, window_bounds = array<i64: 128, 128>}, {pipeline_mode = #tpu.pipeline_mode<synchronous>, transform_indices = @transform_8, window_bounds = array<i64: 1, 128>}, {pipeline_mode = #tpu.pipeline_mode<synchronous>, transform_indices = @transform_9, window_bounds = array<i64: 128, 10>}, {pipeline_mode = #tpu.pipeline_mode<synchronous>, transform_indices = @transform_10, window_bounds = array<i64: 1, 10>}, {pipeline_mode = #tpu.pipeline_mode<synchronous>, transform_indices = @transform_11, window_bounds = array<i64: 128, 10>}]} {
    %eq3A = arith.constant 0 : i32
    %eq3A_0 = arith.cmpi eq, %arg0, %eq3A : i32
    %convert_element_type3A = arith.extui %eq3A_0 : i1 to i32
    %cond3A = arith.constant 0 : i32
    %cond3A_1 = arith.cmpi ne, %convert_element_type3A, %cond3A : i32
    scf.if %cond3A_1 {
      %broadcast_in_dim3A_58 = arith.constant 0.000000e+00 : f32
      %broadcast_in_dim3A_59 = vector.broadcast %broadcast_in_dim3A_58 : f32 to vector<128x128xf32>
      %swap3A_60 = arith.constant 0 : index
      %swap3A_61 = arith.constant 0 : index
      %swap3A_62 = vector.load %arg13[%swap3A_60, %swap3A_61] : memref<128x128xf32, #tpu.memory_space<vmem>>, vector<128x128xf32>
      tpu.vector_store %arg13[%swap3A_60, %swap3A_61], %broadcast_in_dim3A_59 {strides = array<i32>} : memref<128x128xf32, #tpu.memory_space<vmem>>, vector<128x128xf32>,
      %broadcast_in_dim3A_63 = arith.constant 0.000000e+00 : f32
      %broadcast_in_dim3A_64 = vector.broadcast %broadcast_in_dim3A_63 : f32 to vector<128x128xf32>
      %swap3A_65 = arith.constant 0 : index
      %swap3A_66 = arith.constant 0 : index
      %swap3A_67 = vector.load %arg14[%swap3A_65, %swap3A_66] : memref<128x128xf32, #tpu.memory_space<vmem>>, vector<128x128xf32>
      tpu.vector_store %arg14[%swap3A_65, %swap3A_66], %broadcast_in_dim3A_64 {strides = array<i32>} : memref<128x128xf32, #tpu.memory_space<vmem>>, vector<128x128xf32>,
    } else {
    }
    %get3A = arith.constant 0 : index
    %get3A_2 = arith.constant 0 : index
    %get3A_3 = vector.load %arg1[%get3A, %get3A_2] : memref<1000x128xf32, #tpu.memory_space<vmem>>, vector<1000x128xf32>
    %get3A_4 = arith.constant 0 : index
    %get3A_5 = arith.constant 0 : index
    %get3A_6 = vector.load %arg2[%get3A_4, %get3A_5] : memref<1000x128xf32, #tpu.memory_space<vmem>>, vector<1000x128xf32>
    %get3A_7 = arith.constant 0 : index
    %get3A_8 = arith.constant 0 : index
    %get3A_9 = vector.load %arg3[%get3A_7, %get3A_8] : memref<1000x128xf32, #tpu.memory_space<vmem>>, vector<1000x128xf32>
    %add3A = arith.addf %get3A_6, %get3A_9 : vector<1000x128xf32>
    %get3A_10 = arith.constant 0 : index
    %get3A_11 = arith.constant 0 : index
    %get3A_12 = vector.load %arg4[%get3A_10, %get3A_11] : memref<128x128xf32, #tpu.memory_space<vmem>>, vector<128x128xf32>
    %dot_general3A = arith.constant dense<0.000000e+00> : vector<1000x128xf32>
    %dot_general3A_13 = tpu.matmul %get3A_3, %get3A_12, %dot_general3A {dimension_numbers = #tpu.dot_dimension_numbers<[1], [0], [0], [1], [0, 0, 1, 1], [], []>, transpose_lhs_hint = false} : vector<1000x128xf32>, vector<128x128xf32>, vector<1000x128xf32> -> vector<1000x128xf32>
    %get3A_14 = arith.constant 0 : index
    %get3A_15 = arith.constant 0 : index
    %get3A_16 = vector.load %arg5[%get3A_14, %get3A_15] : memref<128x128xf32, #tpu.memory_space<vmem>>, vector<128x128xf32>
    %dot_general3A_17 = arith.constant dense<0.000000e+00> : vector<1000x128xf32>
    %dot_general3A_18 = tpu.matmul %add3A, %get3A_16, %dot_general3A_17 {dimension_numbers = #tpu.dot_dimension_numbers<[1], [0], [0], [1], [0, 0, 1, 1], [], []>, transpose_lhs_hint = false} : vector<1000x128xf32>, vector<128x128xf32>, vector<1000x128xf32> -> vector<1000x128xf32>
    %add3A_19 = arith.addf %dot_general3A_13, %dot_general3A_18 : vector<1000x128xf32>
    %get3A_20 = arith.constant 0 : index
    %get3A_21 = arith.constant 0 : index
    %get3A_22 = vector.load %arg6[%get3A_20, %get3A_21] : memref<1x128xf32, #tpu.memory_space<vmem>>, vector<1x128xf32>
    %add3A_23 = vector.broadcast %get3A_22 : vector<1x128xf32> to vector<1000x128xf32>
    %add3A_24 = arith.addf %add3A_19, %add3A_23 : vector<1000x128xf32>
    %max3A = arith.constant 0.000000e+00 : f32
    %max3A_25 = vector.broadcast %max3A : f32 to vector<1000x128xf32>
    %max3A_26 = arith.maximumf %add3A_24, %max3A_25 : vector<1000x128xf32>
    %get3A_27 = arith.constant 0 : index
    %get3A_28 = arith.constant 0 : index
    %get3A_29 = arith.constant 0 : index
    %get3A_30 = vector.load %arg7[%get3A_27, %get3A_28, %get3A_29] : memref<1x1x1000xi32, #tpu.memory_space<vmem>>, vector<1x1x1000xi32>
    %reshape3A = vector.shape_cast %get3A_30 : vector<1x1x1000xi32> to vector<1x1000xi32>
    %iota3A = tpu.iota {dimensions = array<i32: 0>} : vector<128x1000xi32>
    %eq3A_31 = vector.broadcast %reshape3A : vector<1x1000xi32> to vector<128x1000xi32>
    %eq3A_32 = arith.cmpi eq, %eq3A_31, %iota3A : vector<128x1000xi32>
    %convert_element_type3A_33 = arith.extui %eq3A_32 : vector<128x1000xi1> to vector<128x1000xi32>
    %convert_element_type3A_34 = arith.sitofp %convert_element_type3A_33 : vector<128x1000xi32> to vector<128x1000xf32>
    %get3A_35 = arith.constant 0 : index
    %get3A_36 = arith.constant 0 : index
    %get3A_37 = vector.load %arg13[%get3A_35, %get3A_36] : memref<128x128xf32, #tpu.memory_space<vmem>>, vector<128x128xf32>
    %dot_general3A_38 = arith.constant dense<0.000000e+00> : vector<128x128xf32>
    %dot_general3A_39 = tpu.matmul %convert_element_type3A_34, %max3A_26, %dot_general3A_38 {dimension_numbers = #tpu.dot_dimension_numbers<[1], [0], [0], [1], [0, 0, 1, 1], [], []>, transpose_lhs_hint = false} : vector<128x1000xf32>, vector<1000x128xf32>, vector<128x128xf32> -> vector<128x128xf32>
    %add3A_40 = arith.addf %get3A_37, %dot_general3A_39 : vector<128x128xf32>
    %swap3A = arith.constant 0 : index
    %swap3A_41 = arith.constant 0 : index
    %swap3A_42 = vector.load %arg13[%swap3A, %swap3A_41] : memref<128x128xf32, #tpu.memory_space<vmem>>, vector<128x128xf32>
    tpu.vector_store %arg13[%swap3A, %swap3A_41], %add3A_40 {strides = array<i32>} : memref<128x128xf32, #tpu.memory_space<vmem>>, vector<128x128xf32>,
    %get3A_43 = arith.constant 0 : index
    %get3A_44 = arith.constant 0 : index
    %get3A_45 = vector.load %arg14[%get3A_43, %get3A_44] : memref<128x128xf32, #tpu.memory_space<vmem>>, vector<128x128xf32>
    %broadcast_in_dim3A = arith.constant 1.000000e+00 : f32
    %broadcast_in_dim3A_46 = vector.broadcast %broadcast_in_dim3A : f32 to vector<1000x128xf32>
    %dot_general3A_47 = arith.constant dense<0.000000e+00> : vector<128x128xf32>
    %dot_general3A_48 = tpu.matmul %convert_element_type3A_34, %broadcast_in_dim3A_46, %dot_general3A_47 {dimension_numbers = #tpu.dot_dimension_numbers<[1], [0], [0], [1], [0, 0, 1, 1], [], []>, transpose_lhs_hint = false} : vector<128x1000xf32>, vector<1000x128xf32>, vector<128x128xf32> -> vector<128x128xf32>
    %add3A_49 = arith.addf %get3A_45, %dot_general3A_48 : vector<128x128xf32>
    %swap3A_50 = arith.constant 0 : index
    %swap3A_51 = arith.constant 0 : index
    %swap3A_52 = vector.load %arg14[%swap3A_50, %swap3A_51] : memref<128x128xf32, #tpu.memory_space<vmem>>, vector<128x128xf32>
    tpu.vector_store %arg14[%swap3A_50, %swap3A_51], %add3A_49 {strides = array<i32>} : memref<128x128xf32, #tpu.memory_space<vmem>>, vector<128x128xf32>,
    %eq3A_53 = arith.constant 9 : i32
    %eq3A_54 = arith.cmpi eq, %arg0, %eq3A_53 : i32
    %convert_element_type3A_55 = arith.extui %eq3A_54 : i1 to i32
    %cond3A_56 = arith.constant 0 : i32
    %cond3A_57 = arith.cmpi ne, %convert_element_type3A_55, %cond3A_56 : i32
    scf.if %cond3A_57 {
      %get3A_58 = arith.constant 0 : index
      %get3A_59 = arith.constant 0 : index
      %get3A_60 = vector.load %arg13[%get3A_58, %get3A_59] : memref<128x128xf32, #tpu.memory_space<vmem>>, vector<128x128xf32>
      %get3A_61 = arith.constant 0 : index
      %get3A_62 = arith.constant 0 : index
      %get3A_63 = vector.load %arg14[%get3A_61, %get3A_62] : memref<128x128xf32, #tpu.memory_space<vmem>>, vector<128x128xf32>
      %max3A_64 = arith.constant 1.000000e+00 : f32
      %max3A_65 = vector.broadcast %max3A_64 : f32 to vector<128x128xf32>
      %max3A_66 = arith.maximumf %get3A_63, %max3A_65 : vector<128x128xf32>
      %div3A = arith.divf %get3A_60, %max3A_66 : vector<128x128xf32>
      %get3A_67 = arith.constant 0 : index
      %get3A_68 = arith.constant 0 : index
      %get3A_69 = vector.load %arg8[%get3A_67, %get3A_68] : memref<128x128xf32, #tpu.memory_space<vmem>>, vector<128x128xf32>
      %dot_general3A_70 = arith.constant dense<0.000000e+00> : vector<128x128xf32>
      %dot_general3A_71 = tpu.matmul %div3A, %get3A_69, %dot_general3A_70 {dimension_numbers = #tpu.dot_dimension_numbers<[1], [0], [0], [1], [0, 0, 1, 1], [], []>, transpose_lhs_hint = false} : vector<128x128xf32>, vector<128x128xf32>, vector<128x128xf32> -> vector<128x128xf32>
      %get3A_72 = arith.constant 0 : index
      %get3A_73 = arith.constant 0 : index
      %get3A_74 = vector.load %arg9[%get3A_72, %get3A_73] : memref<1x128xf32, #tpu.memory_space<vmem>>, vector<1x128xf32>
      %add3A_75 = vector.broadcast %get3A_74 : vector<1x128xf32> to vector<128x128xf32>
      %add3A_76 = arith.addf %dot_general3A_71, %add3A_75 : vector<128x128xf32>
      %max3A_77 = arith.constant 0.000000e+00 : f32
      %max3A_78 = vector.broadcast %max3A_77 : f32 to vector<128x128xf32>
      %max3A_79 = arith.maximumf %add3A_76, %max3A_78 : vector<128x128xf32>
      %get3A_80 = arith.constant 0 : index
      %get3A_81 = arith.constant 0 : index
      %get3A_82 = vector.load %arg10[%get3A_80, %get3A_81] : memref<128x10xf32, #tpu.memory_space<vmem>>, vector<128x10xf32>
      %dot_general3A_83 = arith.constant dense<0.000000e+00> : vector<128x10xf32>
      %dot_general3A_84 = tpu.matmul %max3A_79, %get3A_82, %dot_general3A_83 {dimension_numbers = #tpu.dot_dimension_numbers<[1], [0], [0], [1], [0, 0, 1, 1], [], []>, transpose_lhs_hint = false} : vector<128x128xf32>, vector<128x10xf32>, vector<128x10xf32> -> vector<128x10xf32>
      %get3A_85 = arith.constant 0 : index
      %get3A_86 = arith.constant 0 : index
      %get3A_87 = vector.load %arg11[%get3A_85, %get3A_86] : memref<1x10xf32, #tpu.memory_space<vmem>>, vector<1x10xf32>
      %add3A_88 = vector.broadcast %get3A_87 : vector<1x10xf32> to vector<128x10xf32>
      %add3A_89 = arith.addf %dot_general3A_84, %add3A_88 : vector<128x10xf32>
      %reduce_max3A = arith.constant dense<0xFF800000> : vector<128xf32>
      %reduce_max3A_90 = vector.multi_reduction <maximumf>, %add3A_89, %reduce_max3A [1] : vector<128x10xf32> to vector<128xf32>
      %broadcast_in_dim3A_91 = vector.shape_cast %reduce_max3A_90 : vector<128xf32> to vector<128x1xf32>
      %sub3A = vector.broadcast %broadcast_in_dim3A_91 : vector<128x1xf32> to vector<128x10xf32>
      %sub3A_92 = arith.subf %add3A_89, %sub3A : vector<128x10xf32>
      %exp3A = math.exp %sub3A_92 : vector<128x10xf32>
      %reduce_sum3A = arith.constant dense<0.000000e+00> : vector<128xf32>
      %reduce_sum3A_93 = vector.multi_reduction <add>, %exp3A, %reduce_sum3A [1] : vector<128x10xf32> to vector<128xf32>
      %broadcast_in_dim3A_94 = vector.shape_cast %reduce_sum3A_93 : vector<128xf32> to vector<128x1xf32>
      %div3A_95 = vector.broadcast %broadcast_in_dim3A_94 : vector<128x1xf32> to vector<128x10xf32>
      %div3A_96 = arith.divf %exp3A, %div3A_95 : vector<128x10xf32>
      %swap3A_97 = arith.constant 0 : index
      %swap3A_98 = arith.constant 0 : index
      %swap3A_99 = vector.load %arg12[%swap3A_97, %swap3A_98] : memref<128x10xf32, #tpu.memory_space<vmem>>, vector<128x10xf32>
      tpu.vector_store %arg12[%swap3A_97, %swap3A_98], %div3A_96 {strides = array<i32>} : memref<128x10xf32, #tpu.memory_space<vmem>>, vector<128x10xf32>,
    } else {
    }
    return
  }
  func.func @transform_0(%arg0: i32) -> (i32, i32) {
    %c0_i32 = arith.constant 0 : i32
    %c0_i32_0 = arith.constant 0 : i32
    return %arg0, %c0_i32 : i32, i32
  }
  func.func @transform_1(%arg0: i32) -> (i32, i32) {
    %c0_i32 = arith.constant 0 : i32
    %c0_i32_0 = arith.constant 0 : i32
    return %arg0, %c0_i32 : i32, i32
  }
  func.func @transform_2(%arg0: i32) -> (i32, i32) {
    %c0_i32 = arith.constant 0 : i32
    %c0_i32_0 = arith.constant 0 : i32
    return %arg0, %c0_i32 : i32, i32
  }
  func.func @transform_3(%arg0: i32) -> (i32, i32) {
    %c0_i32 = arith.constant 0 : i32
    %c0_i32_0 = arith.constant 0 : i32
    %c0_i32_1 = arith.constant 0 : i32
    return %c0_i32, %c0_i32_0 : i32, i32
  }
  func.func @transform_4(%arg0: i32) -> (i32, i32) {
    %c0_i32 = arith.constant 0 : i32
    %c0_i32_0 = arith.constant 0 : i32
    %c0_i32_1 = arith.constant 0 : i32
    return %c0_i32, %c0_i32_0 : i32, i32
  }
  func.func @transform_5(%arg0: i32) -> (i32, i32) {
    %c0_i32 = arith.constant 0 : i32
    %c0_i32_0 = arith.constant 0 : i32
    %c0_i32_1 = arith.constant 0 : i32
    return %c0_i32, %c0_i32_0 : i32, i32
  }
  func.func @transform_6(%arg0: i32) -> (i32, i32, i32) {
    %c0_i32 = arith.constant 0 : i32
    %c0_i32_0 = arith.constant 0 : i32
    %c0_i32_1 = arith.constant 0 : i32
    return %arg0, %c0_i32, %c0_i32_0 : i32, i32, i32
  }
  func.func @transform_7(%arg0: i32) -> (i32, i32) {
    %c0_i32 = arith.constant 0 : i32
    %c0_i32_0 = arith.constant 0 : i32
    %c0_i32_1 = arith.constant 0 : i32
    return %c0_i32, %c0_i32_0 : i32, i32
  }
  func.func @transform_8(%arg0: i32) -> (i32, i32) {
    %c0_i32 = arith.constant 0 : i32
    %c0_i32_0 = arith.constant 0 : i32
    %c0_i32_1 = arith.constant 0 : i32
    return %c0_i32, %c0_i32_0 : i32, i32
  }
  func.func @transform_9(%arg0: i32) -> (i32, i32) {
    %c0_i32 = arith.constant 0 : i32
    %c0_i32_0 = arith.constant 0 : i32
    %c0_i32_1 = arith.constant 0 : i32
    return %c0_i32, %c0_i32_0 : i32, i32
  }
  func.func @transform_10(%arg0: i32) -> (i32, i32) {
    %c0_i32 = arith.constant 0 : i32
    %c0_i32_0 = arith.constant 0 : i32
    %c0_i32_1 = arith.constant 0 : i32
    return %c0_i32, %c0_i32_0 : i32, i32
  }
  func.func @transform_11(%arg0: i32) -> (i32, i32) {
    %c0_i32 = arith.constant 0 : i32
    %c0_i32_0 = arith.constant 0 : i32
    %c0_i32_1 = arith.constant 0 : i32
    return %c0_i32, %c0_i32_0 : i32, i32
  }
}

module attributes {stable_mosaic.version = 14 : i64} {
  func.func @_tc_layer_body(%arg0: i32, %arg1: memref<1000x128xf32, #tpu.memory_space<vmem>>, %arg2: memref<1000x128xf32, #tpu.memory_space<vmem>>, %arg3: memref<1000x128xf32, #tpu.memory_space<vmem>>, %arg4: memref<128x128xf32, #tpu.memory_space<vmem>>, %arg5: memref<128x128xf32, #tpu.memory_space<vmem>>, %arg6: memref<1x128xf32, #tpu.memory_space<vmem>>, %arg7: memref<1000x128xf32, #tpu.memory_space<vmem>>) attributes {dimension_semantics = [#tpu.dimension_semantics<arbitrary>], iteration_bounds = array<i64: 10>, scalar_prefetch = 0 : i64, scratch_operands = 0 : i64, tpu.core_type = #tpu.core_type<tc>, window_params = [{transform_indices = @transform_0, window_bounds = array<i64: 1000, 128>}, {transform_indices = @transform_1, window_bounds = array<i64: 1000, 128>}, {transform_indices = @transform_2, window_bounds = array<i64: 1000, 128>}, {pipeline_mode = #tpu.pipeline_mode<synchronous>, transform_indices = @transform_3, window_bounds = array<i64: 128, 128>}, {pipeline_mode = #tpu.pipeline_mode<synchronous>, transform_indices = @transform_4, window_bounds = array<i64: 128, 128>}, {pipeline_mode = #tpu.pipeline_mode<synchronous>, transform_indices = @transform_5, window_bounds = array<i64: 1, 128>}, {transform_indices = @transform_6, window_bounds = array<i64: 1000, 128>}]} {
    %get3A = arith.constant 0 : index
    %get3A_0 = arith.constant 0 : index
    %get3A_1 = vector.load %arg1[%get3A, %get3A_0] : memref<1000x128xf32, #tpu.memory_space<vmem>>, vector<1000x128xf32>
    %get3A_2 = arith.constant 0 : index
    %get3A_3 = arith.constant 0 : index
    %get3A_4 = vector.load %arg2[%get3A_2, %get3A_3] : memref<1000x128xf32, #tpu.memory_space<vmem>>, vector<1000x128xf32>
    %get3A_5 = arith.constant 0 : index
    %get3A_6 = arith.constant 0 : index
    %get3A_7 = vector.load %arg3[%get3A_5, %get3A_6] : memref<1000x128xf32, #tpu.memory_space<vmem>>, vector<1000x128xf32>
    %add3A = arith.addf %get3A_4, %get3A_7 : vector<1000x128xf32>
    %get3A_8 = arith.constant 0 : index
    %get3A_9 = arith.constant 0 : index
    %get3A_10 = vector.load %arg4[%get3A_8, %get3A_9] : memref<128x128xf32, #tpu.memory_space<vmem>>, vector<128x128xf32>
    %dot_general3A = arith.constant dense<0.000000e+00> : vector<1000x128xf32>
    %dot_general3A_11 = tpu.matmul %get3A_1, %get3A_10, %dot_general3A {dimension_numbers = #tpu.dot_dimension_numbers<[1], [0], [0], [1], [0, 0, 1, 1], [], []>, transpose_lhs_hint = false} : vector<1000x128xf32>, vector<128x128xf32>, vector<1000x128xf32> -> vector<1000x128xf32>
    %get3A_12 = arith.constant 0 : index
    %get3A_13 = arith.constant 0 : index
    %get3A_14 = vector.load %arg5[%get3A_12, %get3A_13] : memref<128x128xf32, #tpu.memory_space<vmem>>, vector<128x128xf32>
    %dot_general3A_15 = arith.constant dense<0.000000e+00> : vector<1000x128xf32>
    %dot_general3A_16 = tpu.matmul %add3A, %get3A_14, %dot_general3A_15 {dimension_numbers = #tpu.dot_dimension_numbers<[1], [0], [0], [1], [0, 0, 1, 1], [], []>, transpose_lhs_hint = false} : vector<1000x128xf32>, vector<128x128xf32>, vector<1000x128xf32> -> vector<1000x128xf32>
    %add3A_17 = arith.addf %dot_general3A_11, %dot_general3A_16 : vector<1000x128xf32>
    %get3A_18 = arith.constant 0 : index
    %get3A_19 = arith.constant 0 : index
    %get3A_20 = vector.load %arg6[%get3A_18, %get3A_19] : memref<1x128xf32, #tpu.memory_space<vmem>>, vector<1x128xf32>
    %add3A_21 = vector.broadcast %get3A_20 : vector<1x128xf32> to vector<1000x128xf32>
    %add3A_22 = arith.addf %add3A_17, %add3A_21 : vector<1000x128xf32>
    %max3A = arith.constant 0.000000e+00 : f32
    %max3A_23 = vector.broadcast %max3A : f32 to vector<1000x128xf32>
    %max3A_24 = arith.maximumf %add3A_22, %max3A_23 : vector<1000x128xf32>
    %swap3A = arith.constant 0 : index
    %swap3A_25 = arith.constant 0 : index
    %swap3A_26 = vector.load %arg7[%swap3A, %swap3A_25] : memref<1000x128xf32, #tpu.memory_space<vmem>>, vector<1000x128xf32>
    tpu.vector_store %arg7[%swap3A, %swap3A_25], %max3A_24 {strides = array<i32>} : memref<1000x128xf32, #tpu.memory_space<vmem>>, vector<1000x128xf32>,
    return
  }
  func.func @transform_0(%arg0: i32) -> (i32, i32) {
    %c0_i32 = arith.constant 0 : i32
    %c0_i32_0 = arith.constant 0 : i32
    return %arg0, %c0_i32 : i32, i32
  }
  func.func @transform_1(%arg0: i32) -> (i32, i32) {
    %c0_i32 = arith.constant 0 : i32
    %c0_i32_0 = arith.constant 0 : i32
    return %arg0, %c0_i32 : i32, i32
  }
  func.func @transform_2(%arg0: i32) -> (i32, i32) {
    %c0_i32 = arith.constant 0 : i32
    %c0_i32_0 = arith.constant 0 : i32
    return %arg0, %c0_i32 : i32, i32
  }
  func.func @transform_3(%arg0: i32) -> (i32, i32) {
    %c0_i32 = arith.constant 0 : i32
    %c0_i32_0 = arith.constant 0 : i32
    %c0_i32_1 = arith.constant 0 : i32
    return %c0_i32, %c0_i32_0 : i32, i32
  }
  func.func @transform_4(%arg0: i32) -> (i32, i32) {
    %c0_i32 = arith.constant 0 : i32
    %c0_i32_0 = arith.constant 0 : i32
    %c0_i32_1 = arith.constant 0 : i32
    return %c0_i32, %c0_i32_0 : i32, i32
  }
  func.func @transform_5(%arg0: i32) -> (i32, i32) {
    %c0_i32 = arith.constant 0 : i32
    %c0_i32_0 = arith.constant 0 : i32
    %c0_i32_1 = arith.constant 0 : i32
    return %c0_i32, %c0_i32_0 : i32, i32
  }
  func.func @transform_6(%arg0: i32) -> (i32, i32) {
    %c0_i32 = arith.constant 0 : i32
    %c0_i32_0 = arith.constant 0 : i32
    return %arg0, %c0_i32 : i32, i32
  }
}

</mosaic_0001>

<sc_bundles>
// kernel: kernel.6.cloned.1.call-start
scs
__scs_entry_jumppad:
0x0: {  	(pc) =	sbr.rel $0x88, $3  }
0x1: {  	(tag) =	ssettag $0x0;
	lr =	simm.s32 $0x1  }
0x2: {  	[smem:$0x3F94] =	sst lr;
	_ =	strace $0xD0000000  }
0x3: {  	_ = 	snop  }
0x4: {  	_ = 	snop  }
0x5: {  	_ = 	snop  }
0x6: {  	_ = 	snop  }
0x7: {  	_ = 	snop  }
__scs_overlays_trampoline_lowered:
0x8: {  	[smem:$0x3FA3] =	sst s0  }
0x9: {  	[smem:$0x3FA4] =	sst s1  }
0xa: {  	[smem:$0x3FA5] =	sst s2  }
0xb: {  	[smem:$0x3FA6] =	sst s3  }
0xc: {  	[smem:$0x3FA7] =	sst s4  }
0xd: {  	[smem:$0x3FA8] =	sst s5  }
0xe: {  	[smem:$0x3FA9] =	sst s6  }
0xf: {  	[smem:$0x3FAA] =	sst s7  }
0x10: {  	[smem:$0x3FAB] =	sst s8  }
0x11: {  	[smem:$0x3FAC] =	sst s9;
	s0 =	simm.s32 @!p0 $0x0  }
0x12: {  	s1 =	sld [smem:$0x3F92];
	s0 =	simm.s32 @p0 $0x1  }
0x13: {  	[smem:$0x3FAD] =	sst s0;
	s0 =	simm.s32 @!p1 $0x0  }
0x14: {  	s2 =	sld [smem:$0x3F91];
	s0 =	simm.s32 @p1 $0x1  }
0x15: {  	[smem:$0x3FAE] =	sst s0;
	s0 =	simm.s32 @!p2 $0x0  }
0x16: {  	s3 =	sld [smem:$0x3FDB];
	s0 =	simm.s32 @p2 $0x1  }
0x17: {  	s4 =	simm.s32 $0x1BF5;
	[smem:$0x3FB0] =	sst s0  }
0x18: {  	s0 =	sld [smem:$0x3F93];
	_ =	swait.ge [sflag:s4], $0x0  }
0x19: {  	s7 =	sld [smem:$0x3F94]  }
0x1a: {  	s8 =	sadd.s32 $0xFFFFE003, lr  }
0x1b: {  	s9 =	sadd.s32 $0xFFFFFEF7, lr;
	s5 =	simm.s32 $0xFFFFFFFF;
	p2 =	slt.u32 s8, $0xFFFFF086  }
0x1c: {  	p1 =	slt.u32 s9, $0xF7A;
	s5 =	simm.s32 @!p2 $0x0  }
0x1d: {  	s5 =	simm.s32 @p1 $0x1;
	p0 =	seq.s32 s7, s2  }
0x1e: {  	s7 =	smul.u32 @!p0 $0xF7A, s2;
	p2 =	seq.s32 @!p0 s5, $0x0  }
0x1f: {  	s9 =	smul.u32 $0xF7A, s1;
	s8 =	simm.s32 @!p0 $0x1BF5;
	p2 =	por !p2, p0  }
0x20: {  	[sflag:s8] =	ssyncset.s32 @!p0 $0xFFFFF086;
	s6 =	sadd.s32 @!p0 s3, s7;
	s7 =	simm.s32 @!p0 $0x108  }
0x21: {  	s3 =	sadd.s32 s3, s9;
	s6 =	sadd.s32 @!p0 $0x88, s6;
	s7 =	simm.s32 @p2 $0x1082  }
0x22: {  	[simem:s7], [sflag:s8] =	dma.local @!p0 [hbm:s6], $0xF7A  }
0x23: {  	s9 =	sor.u32 $0xD0000000, s2;
	s6 =	simm.s32 $0x108;
	_ =	swait.ge @!p0 [sflag:s8], $0x0  }
0x24: {  	s3 =	sadd.s32 $0x88, s3;
	s6 =	simm.s32 @!p1 $0x1082;
	[sflag:s4] =	ssyncset.s32 $0xFFFFF086  }
0x25: {  	[simem:s6], [sflag:s4] =	dma.local [hbm:s3], $0xF7A  }
0x26: {  	[smem:$0x3F94] =	sst s1;
	(tag) =	ssettag s2;
	_ =	strace s9  }
0x27: {  	s1 =	sld [smem:$0x3FA4]  }
0x28: {  	s2 =	sld [smem:$0x3FA5]  }
0x29: {  	s4 =	sld [smem:$0x3FA7]  }
0x2a: {  	p0 =	seq.s32 s5, $0x0;
	s5 =	sld [smem:$0x3FA8]  }
0x2b: {  	s6 =	sld [smem:$0x3FA9]  }
0x2c: {  	s7 =	sld [smem:$0x3FAA]  }
0x2d: {  	s3 =	simm.s32 $0x108;
	s8 =	sld [smem:$0x3FAB]  }
0x2e: {  	s3 =	simm.s32 @!p0 $0x1082;
	s9 =	sld [smem:$0x3FAC]  }
0x2f: {  	lr =	sadd.s32 s0, s3;
	s0 =	sld [smem:$0x3FA3]  }
0x30: {  	s3 =	sld [smem:$0x3FA6]  }
0x31: {  	[smem:$0x3FAF] =	sst s10  }
0x32: {  	s10 =	sld [smem:$0x3FAD];
	_ =	sdelay $0x3  }
0x33: {  	p0 =	seq.s32 s10, $0x1;
	s10 =	sld [smem:$0x3FAF];
	_ =	sdelay $0x3  }
0x34: {  	[smem:$0x3FAF] =	sst s10  }
0x35: {  	s10 =	sld [smem:$0x3FAE];
	_ =	sdelay $0x3  }
0x36: {  	p1 =	seq.s32 s10, $0x1;
	s10 =	sld [smem:$0x3FAF];
	_ =	sdelay $0x3  }
0x37: {  	[smem:$0x3FAF] =	sst s10  }
0x38: {  	s10 =	sld [smem:$0x3FB0]  }
0x39: {  	_ = 	snop;
	(pc) =	sbr.ind lr, $3  }
0x3a: {  	_ = 	snop  }
0x3b: {  	_ = 	snop  }
0x3c: {  	p2 =	seq.s32 s10, $0x1;
	s10 =	sld [smem:$0x3FAF]  }
0x3d: {  	_ =	shalt  }
0x3e: {  	_ =	shalt  }
0x3f: {  	_ =	shalt  }
0x40: {  	_ =	shalt  }
0x41: {  	_ =	shalt  }
0x42: {  	_ =	shalt  }
0x43: {  	_ =	shalt  }
0x44: {  	_ =	shalt  }
0x45: {  	_ =	shalt  }
0x46: {  	_ =	shalt  }
0x47: {  	_ =	shalt  }
0x48: {  	_ =	shalt  }
0x49: {  	_ =	shalt  }
0x4a: {  	_ =	shalt  }
0x4b: {  	_ =	shalt  }
0x4c: {  	_ =	shalt  }
0x4d: {  	_ =	shalt  }
0x4e: {  	_ =	shalt  }
0x4f: {  	_ =	shalt  }
0x50: {  	_ =	shalt  }
0x51: {  	_ =	shalt  }
0x52: {  	_ =	shalt  }
0x53: {  	_ =	shalt  }
0x54: {  	_ =	shalt  }
0x55: {  	_ =	shalt  }
0x56: {  	_ =	shalt  }
0x57: {  	_ =	shalt  }
0x58: {  	_ =	shalt  }
0x59: {  	_ =	shalt  }
0x5a: {  	_ =	shalt  }
0x5b: {  	_ =	shalt  }
0x5c: {  	_ =	shalt  }
0x5d: {  	_ =	shalt  }
0x5e: {  	_ =	shalt  }
0x5f: {  	_ =	shalt  }
0x60: {  	_ =	shalt  }
0x61: {  	_ =	shalt  }
0x62: {  	_ =	shalt  }
0x63: {  	_ =	shalt  }
0x64: {  	_ =	shalt  }
0x65: {  	_ =	shalt  }
0x66: {  	_ =	shalt  }
0x67: {  	_ =	shalt  }
0x68: {  	_ =	shalt  }
0x69: {  	_ =	shalt  }
0x6a: {  	_ =	shalt  }
0x6b: {  	_ =	shalt  }
0x6c: {  	_ =	shalt  }
0x6d: {  	_ =	shalt  }
0x6e: {  	_ =	shalt  }
0x6f: {  	_ =	shalt  }
0x70: {  	_ =	shalt  }
0x71: {  	_ =	shalt  }
0x72: {  	_ =	shalt  }
0x73: {  	_ =	shalt  }
0x74: {  	_ =	shalt  }
0x75: {  	_ =	shalt  }
0x76: {  	_ =	shalt  }
0x77: {  	_ =	shalt  }
0x78: {  	_ =	shalt  }
0x79: {  	_ =	shalt  }
0x7a: {  	_ =	shalt  }
0x7b: {  	_ =	shalt  }
0x7c: {  	_ =	shalt  }
0x7d: {  	_ =	shalt  }
0x7e: {  	_ =	shalt  }
0x7f: {  	_ =	shalt  }
0x80: {  	_ =	shalt  }
0x81: {  	_ =	shalt  }
0x82: {  	_ =	shalt  }
0x83: {  	_ =	shalt  }
0x84: {  	_ =	shalt  }
0x85: {  	_ =	shalt  }
0x86: {  	_ =	shalt  }
0x87: {  	_ =	shalt  }
.Lfunc_end0:
.L_simem_size_0:
called_computation_lowered:
.L_overlay_start_0:
0x88: {  	s2 =	sld [smem:$0x3FD9]  }
0x89: {  	s3 =	sld [smem:$0x3FFE];
	_ =	sdelay $0x1  }
0x8a: {  	s1 =	srdreg.scid  }
0x8b: {  	s0 =	sand.u32 $0x1, s1  }
0x8c: {  	s17 =	sshll.u32 s0, $0xA;
	s2 =	sadd.s32 s3, s2  }
0x8d: {  	s2 =	sadd.s32 s2, s17  }
0x8e: {  	[smem:$0x3FBB] =	sst s2  }
0x8f: {  	_ = 	snop  }
0x90: {  	s2 =	sld [smem:$0x3FC9];
	(tm) =	ssettm $0x1  }
0x91: {  	s18 =	sld [smem:$0x3FFB];
	_ =	sdelay $0x3  }
0x92: {  	_ =	strace s18  }
0x93: {  	s3 =	sld [smem:$0x3FFC];
	_ =	sdelay $0x3  }
0x94: {  	_ =	strace s3  }
0x95: {  	s3 =	sld [smem:$0x3FFD];
	_ =	sdelay $0x3  }
0x96: {  	_ =	strace s3  }
0x97: {  	_ =	strace $0x8FFFFFFF  }
0x98: {  	s19 =	sld [smem:$0x3FDB];
	_ =	sdelay $0x1  }
0x99: {  	s4 =	simm.s32 $_scs_section_size  }
0x9a: {  	s5 =	simm.s32 $_size__tile_overlayer_lowered;
	s6 =	simm.s32 $_tile_overlayer_lowered  }
0x9b: {  	s22 =	simm.s32 $0x1BFF;
	s21 =	sshll.u32 s6, $0x1;
	s3 =	sadd.s32 s4, s19  }
0x9c: {  	s7 =	simm.s32 $0x0;
	s20 =	sshll.u32 s5, $0x1;
	s5 =	sadd.s32 s21, s3  }
0x9d: {  	[timem:s7], [sflag:s22] =	dma.local [hbm:s5], s20  }
0x9e: {  	_ =	swait.ge [sflag:s22], s20  }
0x9f: {  	s4 =	ssub.s32 $0x0, s20;
	[sflag:s22] =	ssyncset.done $0x0  }
0xa0: {  	[sflag:s22] =	ssyncadd.s32 s4;
	_ =	sdelay $0x1  }
0xa1: {  	s23 =	simm.s32 $0x1B8B  }
0xa2: {  	_ =	swait.ge [sflag:s23], $0x1  }
0xa3: {  	[sflag:s23] =	ssyncset.done $0x0  }
0xa4: {  	s25 =	simm.s32 $0x1B8E;
	s24 =	sld [smem:$0x3FFE];
	[sflag:s23] =	ssyncadd.s32 $0xFFFFFFFF  }
0xa5: {  	s26 =	simm.s32 $execute0_lowered;
	[smem:$0x3FD2] =	sst s25  }
0xa6: {  	s5 =	sshll.u32 s26, $0x1;
	_ =	strace $0x80000046;
	[dreg:$0x1] =	wrdreg $0xFFFFFFFF  }
0xa7: {  	s28 =	simm.s32 $_size_execute0_lowered;
	s3 =	sadd.s32 s3, s5;
	[dreg:$0x0] =	wrdreg $0x0  }
0xa8: {  	s5 =	sshll.u32 s28, $0x1;
	[dreg:$0x2] =	wrdreg s3  }
0xa9: {  	[dreg:$0x3] =	wrdreg s5  }
0xaa: {  	[dreg:$0x4] =	wrdreg $0xC0  }
0xab: {  	_ =	task [dreg:s7], $0x5FFFF  }
0xac: {  	[dreg:$0x1] =	wrdreg $0xFFFFFFFF  }
0xad: {  	[dreg:$0x0] =	wrdreg $0x60  }
0xae: {  	[dreg:$0x2] =	wrdreg s2  }
0xaf: {  	[dreg:$0x3] =	wrdreg s24  }
0xb0: {  	[dreg:$0x4] =	wrdreg $0x90000  }
0xb1: {  	[dreg:$0x5] =	wrdreg $0x9  }
0xb2: {  	_ =	task.clear_ibuf [dreg:s7], $0x6FFFF;
	_ =	strace $0x90000046  }
0xb3: {  	s29 =	simm.s32 $0x9;
	_ =	strace $0x80000048  }
0xb4: {  	_ =	swait.ge [sflag:s29], $0x1  }
0xb5: {  	[sflag:s29] =	ssyncadd.s32 $0xFFFFFFFF  }
0xb6: {  	_ =	strace $0x90000048  }
0xb7: {  	_ =	sfence  }
0xb8: {  	s30 =	sld [smem:$0x0];
	_ =	sdelay $0x2  }
0xb9: {  	s31 =	sshll.u32 s1, $0xD;
	s1 =	sshrl.u32 s1, $0x2  }
0xba: {  	s3 =	sand.u32 $0x4000, s31;
	s1 =	sadd.s32 s1, s30  }
0xbb: {  	s0 =	sor.u32 s3, s0;
	s1 =	sshll.u32 s1, $0x11  }
0xbc: {  	s0 =	sor.u32 s1, s0  }
0xbd: {  	s0 =	sadd.s32 $0x8F2B, s0  }
0xbe: {  	[sflag:s0] =	ssyncadd.remote.s32 $0x1  }
0xbf: {  	_ =	sfence.sel $0xFFFF  }
0xc0: {  	[dreg:$0x0] =	wrdreg $0xFFFFFFFF;
	(pc) =	sbr.abs _section_cstart, $3  }
0xc1: {  	[dreg:$0x1] =	wrdreg $0xFFFFFFFF  }
0xc2: {  	_ =	task.clear_ibuf [dreg:s7], $0x2FFFF;
	_ =	strace $0x9FFFFFFF  }
0xc3: {  	(tm) =	ssettm $0x7FFFFFFF  }
tec
execute0_lowered:
.L_overlay_start_1:
0x0: {  	(tag) =	ssettag $0x1  }
0x1: {  	s1 =	rddreg [dreg:$0x0]  }
0x2: {  	s0 =	srdreg.scid;
	s8 =	rddreg [dreg:$0x1]  }
0x3: {  	s3 =	rddreg [dreg:$0x2];
	s4 =	simm.s32 $0x0;
	s19 =	simm.s32 $0x2  }
0x4: {  	s20 =	simm.s32 $0x2800;
	s21 =	simm.s32 $0x80;
	s22 =	simm.s32 $0x5000  }
0x5: {  	s23 =	simm.s32 $0x1;
	s25 =	simm.s32 $0x1FC2;
	s26 =	simm.s32 $0x0  }
0x6: {  	s13 =	sand.u32 $0x1, s0;
	s0 =	stileid.u32;
	[smem:$0x7FF] =	sst s4  }
0x7: {  	s6 =	sadd.s32 $0x65600, s8;
	s2 =	sshll.u32 s13, $0x4;
	s14 =	smul.u32 $0x2700, s0  }
0x8: {  	s7 =	ssub.s32 $0x2, s13;
	s11 =	smul.u32 $0x4E000, s0;
	p0 =	seq.s32 s0, $0xF  }
0x9: {  	p3 =	sne.s32 s0, $0xF;
	p4 =	seq.s32 s13, $0x0;
	p2 =	seq.s32 s13, $0x1  }
0xa: {  	s5 =	sor.u32 s0, s2;
	s2 =	rddreg [dreg:$0x3];
	_ =	strace $0x80000047  }
0xb: {  	s9 =	sshrl.u32 s7, $0x1;
	p1 =	por !p4, !p3;
	p4 =	por !p4, !p0  }
0xc: {  	p5 =	por !p3, !p2;
	s17 =	sshll.u32 @!p0 s0, $0x6;
	s5 =	smul.u32 $0x500, s5  }
0xd: {  	s10 =	sadd.s32 s14, s8;
	s15 =	ssub.s32 s7, s9;
	s7 =	sadd.s32 $0x124800, s3  }
0xe: {  	s31 =	sshrl.u32 s11, $0x2;
	p1 =	por !p1, !p1;
	p3 =	por !p4, !p4  }
0xf: {  	p6 =	por !p5, !p5;
	s17 =	sor.u32 @!p0 $0x1C02, s17;
	s9 =	sadd.s32 s31, s3  }
.Ltmp0:
0x10: {  	s10 =	sadd.s32 $0x17200, s10;
	s15 =	smax.u32 s15, $0x1;
	(pc) =	sbr.rel .LBB2_1-.Ltmp0, $4  }
0x11: {  	s16 =	sshrl.u32 @p0 s7, $0x3;
	s24 =	sshll.u32 @p1 s0, $0x6;
	p4 =	por !p6, p3  }
0x12: {  	s12 =	sadd.s32 s5, s8;
	s5 =	sadd.s32 $0x3E400, s8;
	s8 =	sadd.s32 $0x3BB00, s8  }
0x13: {  	s18 =	sshrl.u32 @!p0 s9, $0x3;
	s24 =	sor.u32 @p1 $0x1C02, s24;
	s11 =	sadd.s32 $0x3200, s12  }
0x14: {  	s12 =	sadd.s32 $0xD200, s12;
	s13 =	sadd.s32 s5, s14;
	s14 =	sadd.s32 s6, s14  }
.LBB2_5:
0x15: {  	s26 =	sadd.s32 $0x1, s26  }
0x16: {  	p5 =	sne.s32 s26, s15  }
.Ltmp1:
0x17: {  	_ = 	snop;
	(pc) =	sbr.rel @!p5 .LBB2_6-.Ltmp1, $1  }
0x18: {  	_ =	sdelay $0x3  }
.LBB2_1:
0x19: {  	s28 =	simm.s32 @p0 $0x1FC2  }
0x1a: {  	[spmem:s16], [sflag:s28] =	dma.local @p0 [hbm:s8], $0x2800  }
0x1b: {  	s28 =	simm.s32 @p0 $0x2  }
0x1c: {  	_ =	swait.ge @p0 [sflag:s28], $0x2800  }
0x1d: {  	[sflag:s28] =	ssyncset.done @p0 $0x0  }
0x1e: {  	[sflag:s28] =	ssyncadd.s32 @p0 $0xFFFFD800;
	s28 =	simm.s32 @!p0 $0x2  }
0x1f: {  	[spmem:s18], [sflag:s17] =	dma.local @!p0 [hbm:s10], $0x2700  }
0x20: {  	_ =	swait.ge @!p0 [sflag:s28], $0x2700  }
0x21: {  	[sflag:s28] =	ssyncset.done @!p0 $0x0  }
0x22: {  	[sflag:s28] =	ssyncadd.s32 @!p0 $0xFFFFD900  }
0x23: {  	[bflag:$0x0] =	sbarrier.arrive $0xFFFF  }
0x24: {  	[tilespmem:s4], [sflag:$0x2] =	stream.linear.gather [hbm4b:s11+s4], $0x2800, $0x38;
	[tilespmem:$0x1D080] =	vst v63  }
0x25: {  	_ =	swait.ge [sflag:s19], $0x2800  }
0x26: {  	[sflag:s19] =	ssyncset.done $0x0  }
0x27: {  	[sflag:s19] =	ssyncadd.s32 $0xFFFFD800  }
0x28: {  	[tilespmem:s20], [sflag:$0x2] =	stream.linear.gather [hbm4b:s12+s4], $0x2800, $0x38;
	[tilespmem:$0x1D080] =	vst v63  }
0x29: {  	_ =	swait.ge [sflag:s19], $0x2800  }
0x2a: {  	[sflag:s19] =	ssyncset.done $0x0  }
0x2b: {  	s28 =	simm.s32 $0x0;
	[sflag:s19] =	ssyncadd.s32 $0xFFFFD800  }
0x2c: {  	[tilespmem:s22], [sflag:$0x1] =	stream.indirect.gather [hbm4b:s1+s21], $0x80, s28, s21, $0xb8;
	[tilespmem:$0x1D080] =	vst v63  }
0x2d: {  	_ =	swait.ge [sflag:s23], $0x4000  }
0x2e: {  	[sflag:s23] =	ssyncset.done $0x0  }
0x2f: {  	s28 =	simm.s32 $0x2800;
	[sflag:s23] =	ssyncadd.s32 $0xFFFFC000  }
0x30: {  	[spmem:s3] =	stream.indirect.scatter.add.f32 [tilespmem:s22], [sflag:$0x2], $0x80, s28, s21, $0xb8;
	[tilespmem:$0x1D080] =	vst v63  }
0x31: {  	_ =	swait.ge [sflag:s19], $0x4000  }
0x32: {  	s29 =	simm.s32 $0x400;
	s28 =	simm.s32 $0x200;
	[sflag:s19] =	ssyncset.done $0x0  }
.LBB2_2:
0x33: {  	s30 =	sshra.s32 s28, $0x2  }
0x34: {  	[sflag:s19] =	ssyncadd.s32 $0xFFFFC000;
	s28 =	smov.u32 s29;
	s31 =	sadd.s32 $0x200, s29  }
0x35: {  	[tilespmem:s22], [sflag:$0x1] =	stream.indirect.gather [hbm4b:s1+s21], $0x80, s30, s21, $0xb8;
	[tilespmem:$0x1D080] =	vst v63  }
0x36: {  	p5 =	sne.s32 s29, $0x9E00;
	_ =	swait.ge [sflag:s23], $0x4000  }
.Ltmp2:
0x37: {  	[sflag:s23] =	ssyncset.done $0x0;
	(pc) =	sbr.rel @p5 .LBB2_2-.Ltmp2, $4  }
0x38: {  	s29 =	sadd.s32 $0x2800, s30;
	[sflag:s23] =	ssyncadd.s32 $0xFFFFC000  }
0x39: {  	[spmem:s3] =	stream.indirect.scatter.add.f32 [tilespmem:s22], [sflag:$0x2], $0x80, s29, s21, $0xb8;
	[tilespmem:$0x1D080] =	vst v63  }
0x3a: {  	_ =	swait.ge [sflag:s19], $0x4000  }
0x3b: {  	s29 =	smov.u32 s31;
	[sflag:s19] =	ssyncset.done $0x0  }
0x3c: {  	s28 =	sshra.s32 s28, $0x2;
	[sflag:s19] =	ssyncadd.s32 $0xFFFFC000  }
0x3d: {  	[tilespmem:s22], [sflag:$0x1] =	stream.indirect.gather [hbm4b:s1+s21], $0x80, s28, s21, $0xb8;
	[tilespmem:$0x1D080] =	vst v63  }
0x3e: {  	_ =	swait.ge [sflag:s23], $0x4000  }
0x3f: {  	[sflag:s23] =	ssyncset.done $0x0  }
0x40: {  	s28 =	sadd.s32 $0x2800, s28;
	[sflag:s23] =	ssyncadd.s32 $0xFFFFC000  }
0x41: {  	[spmem:s3] =	stream.indirect.scatter.add.f32 [tilespmem:s22], [sflag:$0x2], $0x80, s28, s21, $0xb8;
	[tilespmem:$0x1D080] =	vst v63  }
0x42: {  	_ =	swait.ge [sflag:s19], $0x4000  }
0x43: {  	[sflag:s19] =	ssyncset.done $0x0  }
0x44: {  	p5 =	por @!p4 $0x1, $0x1;
	p6 =	por p2, p2;
	[sflag:s19] =	ssyncadd.s32 $0xFFFFC000  }
0x45: {  	p6 =	por @!p4 p5, p5;
	s28 =	sshrl.u32 @p1 s9, $0x3;
	[bflag:$0x0] =	sbarrier.arrive $0xFFFF  }
0x46: {  	[hbm:s13], [sflag:s24] =	dma.local @p1 [spmem:s28], $0x2700  }
0x47: {  	p5 =	por @!p3 !p6, !p0;
	s28 =	simm.s32 @p1 $0x2  }
0x48: {  	p5 =	por @!p3 !p5, !p5;
	_ =	swait.ge @p1 [sflag:s28], $0x2700  }
0x49: {  	s29 =	sshll.u32 @!p4 s0, $0x6;
	p5 =	por p3, p5;
	[sflag:s28] =	ssyncset.done @p1 $0x0  }
0x4a: {  	[sflag:s28] =	ssyncadd.s32 @p1 $0xFFFFD900;
	s28 =	sor.u32 @!p4 $0x1C02, s29;
	s29 =	sshrl.u32 @!p4 s9, $0x3  }
0x4b: {  	[hbm:s14], [sflag:s28] =	dma.local @!p4 [spmem:s29], $0x2700  }
.Ltmp3:
0x4c: {  	_ = 	snop;
	(pc) =	sbr.rel @!p5 .LBB2_5-.Ltmp3, $4  }
0x4d: {  	s28 =	simm.s32 @!p4 $0x2  }
0x4e: {  	_ =	swait.ge @!p4 [sflag:s28], $0x2700  }
0x4f: {  	[sflag:s28] =	ssyncset.done @!p4 $0x0  }
0x50: {  	[sflag:s28] =	ssyncadd.s32 @!p4 $0xFFFFD900  }
0x51: {  	s28 =	smov.u32 s6  }
0x52: {  	s28 =	smov.u32 @p3 s5  }
.Ltmp4:
0x53: {  	s29 =	sshrl.u32 s7, $0x3;
	s28 =	sadd.s32 $0x24900, s28;
	(pc) =	sbr.rel .LBB2_5-.Ltmp4, $4  }
0x54: {  	[hbm:s28], [sflag:s25] =	dma.local [spmem:s29], $0x2800  }
0x55: {  	_ =	swait.ge [sflag:s19], $0x2800  }
0x56: {  	[sflag:s19] =	ssyncset.done $0x0  }
0x57: {  	[sflag:s19] =	ssyncadd.s32 $0xFFFFD800  }
.LBB2_6:
0x58: {  	_ =	sfence.sel $0x180000  }
0x59: {  	[bflag:$0x0] =	sbarrier.arrive $0xFFFF  }
0x5a: {  	p0 =	sne.s32 s0, $0x0;
	_ =	strace $0x90000047  }
0x5b: {  	s0 =	sadd.s32 @!p0 $0x100000, s2;
	[bflag:$0x2] =	sbarrier.arrive $0xFFFF  }
0x5c: {  	[sflag:s0] =	ssyncadd.tile.s32 @!p0 $0x1;
	_ =	shalt  }
.Lfunc_end2:
_tile_overlayer_lowered:
.L_overlay_start_2:
0x5d: {  	(tag) =	ssettag $0x2  }
0x5e: {  	s0 =	rddreg [dreg:$0x0];
	s2 =	stileid.u32  }
0x5f: {  	s1 =	rddreg [dreg:$0x1];
	p0 =	sne.s32 s2, $0x0  }
0x60: {  	s3 =	rddreg [dreg:$0x2];
	[bflag:$0x3] =	sbarrier.arrive $0xFFFF;
	s2 =	simm.s32 @!p0 $0x1C02  }
0x61: {  	[timem:s3], [sflag:s2] =	dma.local @!p0 [hbm:s0], s1  }
0x62: {  	s0 =	simm.s32 @!p0 $0x2  }
0x63: {  	_ =	swait.ge @!p0 [sflag:s0], s1  }
0x64: {  	s1 =	ssub.s32 @!p0 $0x0, s1;
	[sflag:s0] =	ssyncset.done @!p0 $0x0  }
0x65: {  	[sflag:s0] =	ssyncadd.s32 @!p0 s1  }
0x66: {  	[bflag:$0x3] =	sbarrier.arrive $0xFFFF  }
0x67: {  	_ =	shalt  }

// kernel: kernel.9.cloned.1.call-start
scs
__scs_entry_jumppad:
0x0: {  	(pc) =	sbr.rel $0x88, $3  }
0x1: {  	(tag) =	ssettag $0x0;
	lr =	simm.s32 $0x1  }
0x2: {  	[smem:$0x3F94] =	sst lr;
	_ =	strace $0xD0000000  }
0x3: {  	_ = 	snop  }
0x4: {  	_ = 	snop  }
0x5: {  	_ = 	snop  }
0x6: {  	_ = 	snop  }
0x7: {  	_ = 	snop  }
__scs_overlays_trampoline_lowered:
0x8: {  	[smem:$0x3FA3] =	sst s0  }
0x9: {  	[smem:$0x3FA4] =	sst s1  }
0xa: {  	[smem:$0x3FA5] =	sst s2  }
0xb: {  	[smem:$0x3FA6] =	sst s3  }
0xc: {  	[smem:$0x3FA7] =	sst s4  }
0xd: {  	[smem:$0x3FA8] =	sst s5  }
0xe: {  	[smem:$0x3FA9] =	sst s6  }
0xf: {  	[smem:$0x3FAA] =	sst s7  }
0x10: {  	[smem:$0x3FAB] =	sst s8  }
0x11: {  	[smem:$0x3FAC] =	sst s9;
	s0 =	simm.s32 @!p0 $0x0  }
0x12: {  	s1 =	sld [smem:$0x3F92];
	s0 =	simm.s32 @p0 $0x1  }
0x13: {  	[smem:$0x3FAD] =	sst s0;
	s0 =	simm.s32 @!p1 $0x0  }
0x14: {  	s2 =	sld [smem:$0x3F91];
	s0 =	simm.s32 @p1 $0x1  }
0x15: {  	[smem:$0x3FAE] =	sst s0;
	s0 =	simm.s32 @!p2 $0x0  }
0x16: {  	s3 =	sld [smem:$0x3FDB];
	s0 =	simm.s32 @p2 $0x1  }
0x17: {  	s4 =	simm.s32 $0x1BF5;
	[smem:$0x3FB0] =	sst s0  }
0x18: {  	s0 =	sld [smem:$0x3F93];
	_ =	swait.ge [sflag:s4], $0x0  }
0x19: {  	s7 =	sld [smem:$0x3F94]  }
0x1a: {  	s8 =	sadd.s32 $0xFFFFE003, lr  }
0x1b: {  	s9 =	sadd.s32 $0xFFFFFEF7, lr;
	s5 =	simm.s32 $0xFFFFFFFF;
	p2 =	slt.u32 s8, $0xFFFFF086  }
0x1c: {  	p1 =	slt.u32 s9, $0xF7A;
	s5 =	simm.s32 @!p2 $0x0  }
0x1d: {  	s5 =	simm.s32 @p1 $0x1;
	p0 =	seq.s32 s7, s2  }
0x1e: {  	s7 =	smul.u32 @!p0 $0xF7A, s2;
	p2 =	seq.s32 @!p0 s5, $0x0  }
0x1f: {  	s9 =	smul.u32 $0xF7A, s1;
	s8 =	simm.s32 @!p0 $0x1BF5;
	p2 =	por !p2, p0  }
0x20: {  	[sflag:s8] =	ssyncset.s32 @!p0 $0xFFFFF086;
	s6 =	sadd.s32 @!p0 s3, s7;
	s7 =	simm.s32 @!p0 $0x108  }
0x21: {  	s3 =	sadd.s32 s3, s9;
	s6 =	sadd.s32 @!p0 $0x88, s6;
	s7 =	simm.s32 @p2 $0x1082  }
0x22: {  	[simem:s7], [sflag:s8] =	dma.local @!p0 [hbm:s6], $0xF7A  }
0x23: {  	s9 =	sor.u32 $0xD0000000, s2;
	s6 =	simm.s32 $0x108;
	_ =	swait.ge @!p0 [sflag:s8], $0x0  }
0x24: {  	s3 =	sadd.s32 $0x88, s3;
	s6 =	simm.s32 @!p1 $0x1082;
	[sflag:s4] =	ssyncset.s32 $0xFFFFF086  }
0x25: {  	[simem:s6], [sflag:s4] =	dma.local [hbm:s3], $0xF7A  }
0x26: {  	[smem:$0x3F94] =	sst s1;
	(tag) =	ssettag s2;
	_ =	strace s9  }
0x27: {  	s1 =	sld [smem:$0x3FA4]  }
0x28: {  	s2 =	sld [smem:$0x3FA5]  }
0x29: {  	s4 =	sld [smem:$0x3FA7]  }
0x2a: {  	p0 =	seq.s32 s5, $0x0;
	s5 =	sld [smem:$0x3FA8]  }
0x2b: {  	s6 =	sld [smem:$0x3FA9]  }
0x2c: {  	s7 =	sld [smem:$0x3FAA]  }
0x2d: {  	s3 =	simm.s32 $0x108;
	s8 =	sld [smem:$0x3FAB]  }
0x2e: {  	s3 =	simm.s32 @!p0 $0x1082;
	s9 =	sld [smem:$0x3FAC]  }
0x2f: {  	lr =	sadd.s32 s0, s3;
	s0 =	sld [smem:$0x3FA3]  }
0x30: {  	s3 =	sld [smem:$0x3FA6]  }
0x31: {  	[smem:$0x3FAF] =	sst s10  }
0x32: {  	s10 =	sld [smem:$0x3FAD];
	_ =	sdelay $0x3  }
0x33: {  	p0 =	seq.s32 s10, $0x1;
	s10 =	sld [smem:$0x3FAF];
	_ =	sdelay $0x3  }
0x34: {  	[smem:$0x3FAF] =	sst s10  }
0x35: {  	s10 =	sld [smem:$0x3FAE];
	_ =	sdelay $0x3  }
0x36: {  	p1 =	seq.s32 s10, $0x1;
	s10 =	sld [smem:$0x3FAF];
	_ =	sdelay $0x3  }
0x37: {  	[smem:$0x3FAF] =	sst s10  }
0x38: {  	s10 =	sld [smem:$0x3FB0]  }
0x39: {  	_ = 	snop;
	(pc) =	sbr.ind lr, $3  }
0x3a: {  	_ = 	snop  }
0x3b: {  	_ = 	snop  }
0x3c: {  	p2 =	seq.s32 s10, $0x1;
	s10 =	sld [smem:$0x3FAF]  }
0x3d: {  	_ =	shalt  }
0x3e: {  	_ =	shalt  }
0x3f: {  	_ =	shalt  }
0x40: {  	_ =	shalt  }
0x41: {  	_ =	shalt  }
0x42: {  	_ =	shalt  }
0x43: {  	_ =	shalt  }
0x44: {  	_ =	shalt  }
0x45: {  	_ =	shalt  }
0x46: {  	_ =	shalt  }
0x47: {  	_ =	shalt  }
0x48: {  	_ =	shalt  }
0x49: {  	_ =	shalt  }
0x4a: {  	_ =	shalt  }
0x4b: {  	_ =	shalt  }
0x4c: {  	_ =	shalt  }
0x4d: {  	_ =	shalt  }
0x4e: {  	_ =	shalt  }
0x4f: {  	_ =	shalt  }
0x50: {  	_ =	shalt  }
0x51: {  	_ =	shalt  }
0x52: {  	_ =	shalt  }
0x53: {  	_ =	shalt  }
0x54: {  	_ =	shalt  }
0x55: {  	_ =	shalt  }
0x56: {  	_ =	shalt  }
0x57: {  	_ =	shalt  }
0x58: {  	_ =	shalt  }
0x59: {  	_ =	shalt  }
0x5a: {  	_ =	shalt  }
0x5b: {  	_ =	shalt  }
0x5c: {  	_ =	shalt  }
0x5d: {  	_ =	shalt  }
0x5e: {  	_ =	shalt  }
0x5f: {  	_ =	shalt  }
0x60: {  	_ =	shalt  }
0x61: {  	_ =	shalt  }
0x62: {  	_ =	shalt  }
0x63: {  	_ =	shalt  }
0x64: {  	_ =	shalt  }
0x65: {  	_ =	shalt  }
0x66: {  	_ =	shalt  }
0x67: {  	_ =	shalt  }
0x68: {  	_ =	shalt  }
0x69: {  	_ =	shalt  }
0x6a: {  	_ =	shalt  }
0x6b: {  	_ =	shalt  }
0x6c: {  	_ =	shalt  }
0x6d: {  	_ =	shalt  }
0x6e: {  	_ =	shalt  }
0x6f: {  	_ =	shalt  }
0x70: {  	_ =	shalt  }
0x71: {  	_ =	shalt  }
0x72: {  	_ =	shalt  }
0x73: {  	_ =	shalt  }
0x74: {  	_ =	shalt  }
0x75: {  	_ =	shalt  }
0x76: {  	_ =	shalt  }
0x77: {  	_ =	shalt  }
0x78: {  	_ =	shalt  }
0x79: {  	_ =	shalt  }
0x7a: {  	_ =	shalt  }
0x7b: {  	_ =	shalt  }
0x7c: {  	_ =	shalt  }
0x7d: {  	_ =	shalt  }
0x7e: {  	_ =	shalt  }
0x7f: {  	_ =	shalt  }
0x80: {  	_ =	shalt  }
0x81: {  	_ =	shalt  }
0x82: {  	_ =	shalt  }
0x83: {  	_ =	shalt  }
0x84: {  	_ =	shalt  }
0x85: {  	_ =	shalt  }
0x86: {  	_ =	shalt  }
0x87: {  	_ =	shalt  }
.Lfunc_end0:
.L_simem_size_0:
called_computation.1_lowered:
.L_overlay_start_0:
0x88: {  	s2 =	sld [smem:$0x3FD9]  }
0x89: {  	s3 =	sld [smem:$0x3FFE];
	_ =	sdelay $0x1  }
0x8a: {  	s1 =	srdreg.scid  }
0x8b: {  	s0 =	sand.u32 $0x1, s1  }
0x8c: {  	s16 =	sshll.u32 s0, $0xA;
	s2 =	sadd.s32 s3, s2  }
0x8d: {  	s2 =	sadd.s32 s2, s16  }
0x8e: {  	[smem:$0x3FBB] =	sst s2  }
0x8f: {  	_ = 	snop  }
0x90: {  	(tm) =	ssettm $0x1  }
0x91: {  	s17 =	sld [smem:$0x3FFB];
	_ =	sdelay $0x3  }
0x92: {  	_ =	strace s17  }
0x93: {  	s2 =	sld [smem:$0x3FFC];
	_ =	sdelay $0x3  }
0x94: {  	_ =	strace s2  }
0x95: {  	s2 =	sld [smem:$0x3FFD];
	_ =	sdelay $0x3  }
0x96: {  	_ =	strace s2  }
0x97: {  	_ =	strace $0x8FFFFFFF  }
0x98: {  	s18 =	sld [smem:$0x3FDB];
	_ =	sdelay $0x1  }
0x99: {  	s19 =	simm.s32 $_scs_section_size  }
0x9a: {  	s4 =	simm.s32 $_size__tile_overlayer_lowered;
	s5 =	simm.s32 $_tile_overlayer_lowered  }
0x9b: {  	s22 =	simm.s32 $0x1BFF;
	s21 =	sshll.u32 s5, $0x1;
	s2 =	sadd.s32 s19, s18  }
0x9c: {  	s6 =	simm.s32 $0x0;
	s20 =	sshll.u32 s4, $0x1;
	s4 =	sadd.s32 s21, s2  }
0x9d: {  	[timem:s6], [sflag:s22] =	dma.local [hbm:s4], s20  }
0x9e: {  	_ =	swait.ge [sflag:s22], s20  }
0x9f: {  	s3 =	ssub.s32 $0x0, s20;
	[sflag:s22] =	ssyncset.done $0x0  }
0xa0: {  	[sflag:s22] =	ssyncadd.s32 s3;
	_ =	sdelay $0x1  }
0xa1: {  	s23 =	simm.s32 $0x1B8B  }
0xa2: {  	_ =	swait.ge [sflag:s23], $0x1  }
0xa3: {  	[sflag:s23] =	ssyncset.done $0x0  }
0xa4: {  	s25 =	simm.s32 $0x1B8E;
	s24 =	sld [smem:$0x3FFE];
	[sflag:s23] =	ssyncadd.s32 $0xFFFFFFFF  }
0xa5: {  	s26 =	simm.s32 $execute0_lowered;
	[smem:$0x3FD2] =	sst s25  }
0xa6: {  	s4 =	sshll.u32 s26, $0x1;
	_ =	strace $0x80000049;
	[dreg:$0x1] =	wrdreg $0xFFFFFFFF  }
0xa7: {  	s28 =	simm.s32 $_size_execute0_lowered;
	s2 =	sadd.s32 s2, s4;
	[dreg:$0x0] =	wrdreg $0x0  }
0xa8: {  	s4 =	sshll.u32 s28, $0x1;
	[dreg:$0x2] =	wrdreg s2  }
0xa9: {  	[dreg:$0x3] =	wrdreg s4  }
0xaa: {  	[dreg:$0x4] =	wrdreg $0xC0  }
0xab: {  	_ =	task [dreg:s6], $0x5FFFF  }
0xac: {  	[dreg:$0x1] =	wrdreg $0xFFFFFFFF  }
0xad: {  	[dreg:$0x0] =	wrdreg $0x60  }
0xae: {  	[dreg:$0x2] =	wrdreg s24  }
0xaf: {  	[dreg:$0x3] =	wrdreg $0x90000  }
0xb0: {  	[dreg:$0x4] =	wrdreg $0x9  }
0xb1: {  	_ =	task.clear_ibuf [dreg:s6], $0x5FFFF;
	_ =	strace $0x90000049  }
0xb2: {  	s29 =	simm.s32 $0x9;
	_ =	strace $0x8000004B  }
0xb3: {  	_ =	swait.ge [sflag:s29], $0x1  }
0xb4: {  	[sflag:s29] =	ssyncadd.s32 $0xFFFFFFFF  }
0xb5: {  	_ =	strace $0x9000004B  }
0xb6: {  	_ =	sfence  }
0xb7: {  	s30 =	sld [smem:$0x0];
	_ =	sdelay $0x2  }
0xb8: {  	s31 =	sshll.u32 s1, $0xD;
	s1 =	sshrl.u32 s1, $0x2  }
0xb9: {  	s3 =	sand.u32 $0x4000, s31;
	s1 =	sadd.s32 s1, s30  }
0xba: {  	s0 =	sor.u32 s3, s0;
	s1 =	sshll.u32 s1, $0x11  }
0xbb: {  	s0 =	sor.u32 s1, s0  }
0xbc: {  	s0 =	sadd.s32 $0x8F2B, s0  }
0xbd: {  	[sflag:s0] =	ssyncadd.remote.s32 $0x1  }
0xbe: {  	_ =	sfence.sel $0xFFFF  }
0xbf: {  	[dreg:$0x0] =	wrdreg $0xFFFFFFFF;
	(pc) =	sbr.abs _section_cstart, $3  }
0xc0: {  	[dreg:$0x1] =	wrdreg $0xFFFFFFFF  }
0xc1: {  	_ =	task.clear_ibuf [dreg:s6], $0x2FFFF;
	_ =	strace $0x9FFFFFFF  }
0xc2: {  	(tm) =	ssettm $0x7FFFFFFF  }
0xc3: {  	_ =	shalt  }
tec
execute0_lowered:
.L_overlay_start_1:
0x0: {  	(tag) =	ssettag $0x1  }
0x1: {  	s8 =	rddreg [dreg:$0x0]  }
0x2: {  	s0 =	srdreg.scid;
	s2 =	rddreg [dreg:$0x1]  }
0x3: {  	s3 =	simm.s32 $0x0;
	s19 =	simm.s32 $0x2;
	s20 =	simm.s32 $0x2800  }
0x4: {  	s21 =	simm.s32 $0x80;
	s22 =	simm.s32 $0x5000;
	s23 =	simm.s32 $0x1  }
0x5: {  	s25 =	simm.s32 $0x1FC2;
	s26 =	simm.s32 $0x0;
	s13 =	sand.u32 $0x1, s0  }
0x6: {  	s0 =	stileid.u32;
	[smem:$0x7FF] =	sst s3;
	s6 =	sadd.s32 $0x8C800, s8  }
0x7: {  	s1 =	sshll.u32 s13, $0x4;
	s14 =	smul.u32 $0x2700, s0;
	s7 =	ssub.s32 $0x2, s13  }
0x8: {  	s11 =	smul.u32 $0x4E000, s0;
	p0 =	seq.s32 s0, $0xF;
	p3 =	sne.s32 s0, $0xF  }
0x9: {  	p4 =	seq.s32 s13, $0x0;
	p2 =	seq.s32 s13, $0x1;
	s4 =	sor.u32 s0, s1  }
0xa: {  	s1 =	rddreg [dreg:$0x2];
	_ =	strace $0x8000004A;
	s9 =	sshrl.u32 s7, $0x1  }
0xb: {  	p1 =	por !p4, !p3;
	p4 =	por !p4, !p0;
	p5 =	por !p3, !p2  }
0xc: {  	s17 =	sshll.u32 @!p0 s0, $0x6;
	s5 =	smul.u32 $0x500, s4;
	s4 =	sadd.s32 $0x3E400, s8  }
0xd: {  	s10 =	sadd.s32 s14, s8;
	s15 =	ssub.s32 s7, s9;
	s7 =	sadd.s32 $0x124800, s2  }
0xe: {  	s31 =	sshrl.u32 s11, $0x2;
	p1 =	por !p1, !p1;
	p3 =	por !p4, !p4  }
0xf: {  	p6 =	por !p5, !p5;
	s17 =	sor.u32 @!p0 $0x1C02, s17;
	s9 =	sadd.s32 s31, s2  }
.Ltmp0:
0x10: {  	s10 =	sadd.s32 $0x17200, s10;
	s15 =	smax.u32 s15, $0x1;
	(pc) =	sbr.rel .LBB2_1-.Ltmp0, $4  }
0x11: {  	s16 =	sshrl.u32 @p0 s7, $0x3;
	s24 =	sshll.u32 @p1 s0, $0x6;
	p4 =	por !p6, p3  }
0x12: {  	s12 =	sadd.s32 s5, s8;
	s5 =	sadd.s32 $0x65600, s8;
	s8 =	sadd.s32 $0x3BB00, s8  }
0x13: {  	s18 =	sshrl.u32 @!p0 s9, $0x3;
	s24 =	sor.u32 @p1 $0x1C02, s24;
	s11 =	sadd.s32 $0x3200, s12  }
0x14: {  	s12 =	sadd.s32 $0xD200, s12;
	s13 =	sadd.s32 s5, s14;
	s14 =	sadd.s32 s6, s14  }
.LBB2_5:
0x15: {  	s26 =	sadd.s32 $0x1, s26  }
0x16: {  	p5 =	sne.s32 s26, s15  }
.Ltmp1:
0x17: {  	_ = 	snop;
	(pc) =	sbr.rel @!p5 .LBB2_6-.Ltmp1, $1  }
0x18: {  	_ =	sdelay $0x3  }
.LBB2_1:
0x19: {  	s28 =	simm.s32 @p0 $0x1FC2  }
0x1a: {  	[spmem:s16], [sflag:s28] =	dma.local @p0 [hbm:s8], $0x2800  }
0x1b: {  	s28 =	simm.s32 @p0 $0x2  }
0x1c: {  	_ =	swait.ge @p0 [sflag:s28], $0x2800  }
0x1d: {  	[sflag:s28] =	ssyncset.done @p0 $0x0  }
0x1e: {  	[sflag:s28] =	ssyncadd.s32 @p0 $0xFFFFD800;
	s28 =	simm.s32 @!p0 $0x2  }
0x1f: {  	[spmem:s18], [sflag:s17] =	dma.local @!p0 [hbm:s10], $0x2700  }
0x20: {  	_ =	swait.ge @!p0 [sflag:s28], $0x2700  }
0x21: {  	[sflag:s28] =	ssyncset.done @!p0 $0x0  }
0x22: {  	[sflag:s28] =	ssyncadd.s32 @!p0 $0xFFFFD900  }
0x23: {  	[bflag:$0x0] =	sbarrier.arrive $0xFFFF  }
0x24: {  	[tilespmem:s3], [sflag:$0x2] =	stream.linear.gather [hbm4b:s11+s3], $0x2800, $0x38;
	[tilespmem:$0x1D080] =	vst v63  }
0x25: {  	_ =	swait.ge [sflag:s19], $0x2800  }
0x26: {  	[sflag:s19] =	ssyncset.done $0x0  }
0x27: {  	[sflag:s19] =	ssyncadd.s32 $0xFFFFD800  }
0x28: {  	[tilespmem:s20], [sflag:$0x2] =	stream.linear.gather [hbm4b:s12+s3], $0x2800, $0x38;
	[tilespmem:$0x1D080] =	vst v63  }
0x29: {  	_ =	swait.ge [sflag:s19], $0x2800  }
0x2a: {  	[sflag:s19] =	ssyncset.done $0x0  }
0x2b: {  	s28 =	simm.s32 $0x0;
	[sflag:s19] =	ssyncadd.s32 $0xFFFFD800  }
0x2c: {  	[tilespmem:s22], [sflag:$0x1] =	stream.indirect.gather [hbm4b:s4+s21], $0x80, s28, s21, $0xb8;
	[tilespmem:$0x1D080] =	vst v63  }
0x2d: {  	_ =	swait.ge [sflag:s23], $0x4000  }
0x2e: {  	[sflag:s23] =	ssyncset.done $0x0  }
0x2f: {  	s28 =	simm.s32 $0x2800;
	[sflag:s23] =	ssyncadd.s32 $0xFFFFC000  }
0x30: {  	[spmem:s2] =	stream.indirect.scatter.add.f32 [tilespmem:s22], [sflag:$0x2], $0x80, s28, s21, $0xb8;
	[tilespmem:$0x1D080] =	vst v63  }
0x31: {  	_ =	swait.ge [sflag:s19], $0x4000  }
0x32: {  	s29 =	simm.s32 $0x400;
	s28 =	simm.s32 $0x200;
	[sflag:s19] =	ssyncset.done $0x0  }
.LBB2_2:
0x33: {  	s30 =	sshra.s32 s28, $0x2  }
0x34: {  	[sflag:s19] =	ssyncadd.s32 $0xFFFFC000;
	s28 =	smov.u32 s29;
	s31 =	sadd.s32 $0x200, s29  }
0x35: {  	[tilespmem:s22], [sflag:$0x1] =	stream.indirect.gather [hbm4b:s4+s21], $0x80, s30, s21, $0xb8;
	[tilespmem:$0x1D080] =	vst v63  }
0x36: {  	p5 =	sne.s32 s29, $0x9E00;
	_ =	swait.ge [sflag:s23], $0x4000  }
.Ltmp2:
0x37: {  	[sflag:s23] =	ssyncset.done $0x0;
	(pc) =	sbr.rel @p5 .LBB2_2-.Ltmp2, $4  }
0x38: {  	s29 =	sadd.s32 $0x2800, s30;
	[sflag:s23] =	ssyncadd.s32 $0xFFFFC000  }
0x39: {  	[spmem:s2] =	stream.indirect.scatter.add.f32 [tilespmem:s22], [sflag:$0x2], $0x80, s29, s21, $0xb8;
	[tilespmem:$0x1D080] =	vst v63  }
0x3a: {  	_ =	swait.ge [sflag:s19], $0x4000  }
0x3b: {  	s29 =	smov.u32 s31;
	[sflag:s19] =	ssyncset.done $0x0  }
0x3c: {  	s28 =	sshra.s32 s28, $0x2;
	[sflag:s19] =	ssyncadd.s32 $0xFFFFC000  }
0x3d: {  	[tilespmem:s22], [sflag:$0x1] =	stream.indirect.gather [hbm4b:s4+s21], $0x80, s28, s21, $0xb8;
	[tilespmem:$0x1D080] =	vst v63  }
0x3e: {  	_ =	swait.ge [sflag:s23], $0x4000  }
0x3f: {  	[sflag:s23] =	ssyncset.done $0x0  }
0x40: {  	s28 =	sadd.s32 $0x2800, s28;
	[sflag:s23] =	ssyncadd.s32 $0xFFFFC000  }
0x41: {  	[spmem:s2] =	stream.indirect.scatter.add.f32 [tilespmem:s22], [sflag:$0x2], $0x80, s28, s21, $0xb8;
	[tilespmem:$0x1D080] =	vst v63  }
0x42: {  	_ =	swait.ge [sflag:s19], $0x4000  }
0x43: {  	[sflag:s19] =	ssyncset.done $0x0  }
0x44: {  	p5 =	por @!p4 $0x1, $0x1;
	p6 =	por p2, p2;
	[sflag:s19] =	ssyncadd.s32 $0xFFFFC000  }
0x45: {  	p6 =	por @!p4 p5, p5;
	s28 =	sshrl.u32 @p1 s9, $0x3;
	[bflag:$0x0] =	sbarrier.arrive $0xFFFF  }
0x46: {  	[hbm:s13], [sflag:s24] =	dma.local @p1 [spmem:s28], $0x2700  }
0x47: {  	p5 =	por @!p3 !p6, !p0;
	s28 =	simm.s32 @p1 $0x2  }
0x48: {  	p5 =	por @!p3 !p5, !p5;
	_ =	swait.ge @p1 [sflag:s28], $0x2700  }
0x49: {  	s29 =	sshll.u32 @!p4 s0, $0x6;
	p5 =	por p3, p5;
	[sflag:s28] =	ssyncset.done @p1 $0x0  }
0x4a: {  	[sflag:s28] =	ssyncadd.s32 @p1 $0xFFFFD900;
	s28 =	sor.u32 @!p4 $0x1C02, s29;
	s29 =	sshrl.u32 @!p4 s9, $0x3  }
0x4b: {  	[hbm:s14], [sflag:s28] =	dma.local @!p4 [spmem:s29], $0x2700  }
.Ltmp3:
0x4c: {  	_ = 	snop;
	(pc) =	sbr.rel @!p5 .LBB2_5-.Ltmp3, $4  }
0x4d: {  	s28 =	simm.s32 @!p4 $0x2  }
0x4e: {  	_ =	swait.ge @!p4 [sflag:s28], $0x2700  }
0x4f: {  	[sflag:s28] =	ssyncset.done @!p4 $0x0  }
0x50: {  	[sflag:s28] =	ssyncadd.s32 @!p4 $0xFFFFD900  }
0x51: {  	s28 =	smov.u32 s6  }
0x52: {  	s28 =	smov.u32 @p3 s5  }
.Ltmp4:
0x53: {  	s29 =	sshrl.u32 s7, $0x3;
	s28 =	sadd.s32 $0x24900, s28;
	(pc) =	sbr.rel .LBB2_5-.Ltmp4, $4  }
0x54: {  	[hbm:s28], [sflag:s25] =	dma.local [spmem:s29], $0x2800  }
0x55: {  	_ =	swait.ge [sflag:s19], $0x2800  }
0x56: {  	[sflag:s19] =	ssyncset.done $0x0  }
0x57: {  	[sflag:s19] =	ssyncadd.s32 $0xFFFFD800  }
.LBB2_6:
0x58: {  	_ =	sfence.sel $0x180000  }
0x59: {  	[bflag:$0x0] =	sbarrier.arrive $0xFFFF  }
0x5a: {  	p0 =	sne.s32 s0, $0x0;
	_ =	strace $0x9000004A  }
0x5b: {  	s0 =	sadd.s32 @!p0 $0x100000, s1;
	[bflag:$0x2] =	sbarrier.arrive $0xFFFF  }
0x5c: {  	[sflag:s0] =	ssyncadd.tile.s32 @!p0 $0x1;
	_ =	shalt  }
.Lfunc_end2:
_tile_overlayer_lowered:
.L_overlay_start_2:
0x5d: {  	(tag) =	ssettag $0x2  }
0x5e: {  	s0 =	rddreg [dreg:$0x0];
	s2 =	stileid.u32  }
0x5f: {  	s1 =	rddreg [dreg:$0x1];
	p0 =	sne.s32 s2, $0x0  }
0x60: {  	s3 =	rddreg [dreg:$0x2];
	[bflag:$0x3] =	sbarrier.arrive $0xFFFF;
	s2 =	simm.s32 @!p0 $0x1C02  }
0x61: {  	[timem:s3], [sflag:s2] =	dma.local @!p0 [hbm:s0], s1  }
0x62: {  	s0 =	simm.s32 @!p0 $0x2  }
0x63: {  	_ =	swait.ge @!p0 [sflag:s0], s1  }
0x64: {  	s1 =	ssub.s32 @!p0 $0x0, s1;
	[sflag:s0] =	ssyncset.done @!p0 $0x0  }
0x65: {  	[sflag:s0] =	ssyncadd.s32 @!p0 s1  }
0x66: {  	[bflag:$0x3] =	sbarrier.arrive $0xFFFF  }
0x67: {  	_ =	shalt  }

</sc_bundles>
